<compile_context>
chip_gen: v7x
topology: tpu7x:2x2x1
jax: 0.10.2.dev20260603
libtpu: 0.0.44.dev20260713+nightly
codegen_flags: <defaults>
</compile_context>

<pallas_src>
import functools

import jax
import jax.numpy as jnp
from jax import lax
from jax.experimental import pallas as pl
from jax.experimental.pallas import tpu as pltpu
from jax.experimental.pallas import tpu_sc as plsc

N_S = 100000
D = 128
NWAY = 512
Q = 8192

CHUNK = 128
NUM_FULL = N_S // CHUNK
TAIL = N_S - NUM_FULL * CHUNK
TAIL_OFF = NUM_FULL * CHUNK
NC = 2
NSUB = 16
NW = NC * NSUB
NL = 16

QBLK = 1024
NQB = Q // QBLK

_sc_mesh = plsc.VectorSubcoreMesh(core_axis_name="c", subcore_axis_name="s")


@functools.partial(
    pl.kernel,
    out_type=(
        jax.ShapeDtypeStruct((NC * NWAY, D), jnp.float32),
        jax.ShapeDtypeStruct((NC * NWAY,), jnp.float32),
    ),
    mesh=_sc_mesh,
    scratch_types=(
        pltpu.VMEM((CHUNK, D), jnp.float32),
        pltpu.VMEM((CHUNK, D), jnp.float32),
        pltpu.VMEM((CHUNK,), jnp.int32),
        pltpu.VMEM((CHUNK,), jnp.int32),
        pltpu.VMEM((TAIL,), jnp.int32),
        pltpu.SemaphoreType.DMA,
        pltpu.SemaphoreType.DMA,
        pltpu.SemaphoreType.DMA,
        pltpu.SemaphoreType.DMA,
        pltpu.SemaphoreType.DMA,
        pltpu.SemaphoreType.DMA,
        pltpu.SemaphoreType.DMA,
        pltpu.SemaphoreType.DMA,
        pltpu.VMEM((32, D), jnp.float32),
        pltpu.VMEM((CHUNK,), jnp.float32),
        pltpu.VMEM((32,), jnp.float32),
        pltpu.VMEM_SHARED((NWAY, D), jnp.float32),
        pltpu.VMEM_SHARED((NWAY,), jnp.float32),
    ),
)
def _sc_segment_sums(x_hbm, lab_hbm, sums_out, counts_out,
                     rows0, rows1, lab0, lab1, tlab_v,
                     sr0, sr1, sl0, sl1, sd0, sd1, so0, so1,
                     zrow_v, ones_v, zc_v, ssum, scnt):
    cid = lax.axis_index("c")
    sid = lax.axis_index("s")
    wid = cid * NSUB + sid

    nchunks = (NUM_FULL + NW - 1 - wid) // NW
    bufs = ((rows0, lab0, sr0, sl0, sd0, so0), (rows1, lab1, sr1, sl1, sd1, so1))

    def _start_load(c, rbuf, lbuf, sr, sl, sd, so):
        base = (wid + c * NW) * CHUNK
        pltpu.async_copy(x_hbm.at[pl.ds(base, CHUNK)], rbuf, sr)
        pltpu.async_copy(lab_hbm.at[pl.ds(base, CHUNK)], lbuf, sl)

    _start_load(0, *bufs[0])

    zero16 = jnp.zeros((NL,), jnp.float32)

    def _fill_zrow(i, carry):
        for j in range(D // NL):
            zrow_v[i, pl.ds(j * NL, NL)] = zero16
        return carry

    lax.fori_loop(0, 32, _fill_zrow, 0)

    one16 = jnp.ones((NL,), jnp.float32)

    for i in range(CHUNK // NL):
        ones_v[pl.ds(i * NL, NL)] = one16
    for i in range(32 // NL):
        zc_v[pl.ds(i * NL, NL)] = zero16

    pltpu.sync_copy(zrow_v, ssum.at[pl.ds(sid * 32, 32)])
    pltpu.sync_copy(zc_v, scnt.at[pl.ds(sid * 32, 32)])
    plsc.subcore_barrier()

    def _wait_scatters(b):
        rbuf, lbuf, sr, sl, sd, so = bufs[b]
        pltpu.make_async_copy(rbuf, ssum.at[lbuf], sd).wait()
        pltpu.make_async_copy(ones_v, scnt.at[lbuf], so).wait()

    def _chunk_body(i2, carry):
        for b in range(2):
            rbuf, lbuf, sr, sl, sd, so = bufs[b]
            c = 2 * i2 + b

            @pl.when(c < nchunks)
            def _(c=c, b=b, rbuf=rbuf, lbuf=lbuf, sr=sr, sl=sl, sd=sd,
                  so=so, nxt=bufs[1 - b]):
                pltpu.make_async_copy(x_hbm.at[pl.ds(0, CHUNK)], rbuf, sr).wait()
                pltpu.make_async_copy(lab_hbm.at[pl.ds(0, CHUNK)], lbuf, sl).wait()

                pltpu.async_copy(rbuf, ssum.at[lbuf], sd, add=True)
                pltpu.async_copy(ones_v, scnt.at[lbuf], so, add=True)

                @pl.when(c >= 1)
                def _():
                    _wait_scatters(1 - b)

                @pl.when(c + 1 < nchunks)
                def _():
                    _start_load(c + 1, *nxt)
        return carry

    lax.fori_loop(0, (nchunks + 1) // 2, _chunk_body, 0)

    @pl.when(nchunks % 2 == 1)
    def _drain0():
        _wait_scatters(0)

    @pl.when(nchunks % 2 == 0)
    def _drain1():
        _wait_scatters(1)

    @pl.when(wid == NW - 1)
    def _tail():
        pltpu.sync_copy(x_hbm.at[pl.ds(TAIL_OFF, TAIL)], rows0.at[pl.ds(0, TAIL)])
        pltpu.sync_copy(lab_hbm.at[pl.ds(TAIL_OFF, TAIL)], tlab_v)
        pltpu.sync_copy(rows0.at[pl.ds(0, TAIL)], ssum.at[tlab_v], add=True)
        pltpu.sync_copy(ones_v.at[pl.ds(0, TAIL)], scnt.at[tlab_v], add=True)

    plsc.subcore_barrier()

    pltpu.sync_copy(ssum.at[pl.ds(sid * 32, 32)],
                    sums_out.at[pl.ds(cid * NWAY + sid * 32, 32)])
    pltpu.sync_copy(scnt.at[pl.ds(sid * 32, 32)], zc_v)
    pltpu.sync_copy(zc_v, counts_out.at[pl.ds(cid * NWAY + sid * 32, 32)])


def _tc_body(sums_ref, counts_ref, q_ref, w_ref, qlab_ref,
             logits_ref, loss_ref, p_ref, pn_ref, acc_ref):
    @pl.when(pl.program_id(0) == 0)
    def _init():
        s = sums_ref[0:NWAY, :] + sums_ref[NWAY:2 * NWAY, :]
        cnt = counts_ref[0, :] + counts_ref[1, :]
        cnt = jnp.maximum(cnt, 1.0)
        protos = jnp.dot(s, w_ref[...], preferred_element_type=jnp.float32)
        protos = protos / cnt[:, None]
        p_ref[...] = protos
        pn_ref[0, :] = jnp.sum(protos * protos, axis=1)
        acc_ref[0, 0] = 0.0

    hq = jnp.dot(q_ref[...], w_ref[...], preferred_element_type=jnp.float32)
    protos = p_ref[...]
    cross = lax.dot_general(hq, protos, (((1,), (1,)), ((), ())),
                            preferred_element_type=jnp.float32)
    d2 = jnp.sum(hq * hq, axis=1, keepdims=True) + pn_ref[0, :][None, :] - 2.0 * cross
    logits = -jnp.sqrt(jnp.maximum(d2, 1e-12))
    logits_ref[...] = logits

    m = jnp.max(logits, axis=1)
    logz = m + jnp.log(jnp.sum(jnp.exp(logits - m[:, None]), axis=1))
    labels = qlab_ref[0, 0, :]
    cols = lax.broadcasted_iota(jnp.int32, (QBLK, NWAY), 1)
    picked = jnp.sum(jnp.where(cols == labels[:, None], logits, 0.0), axis=1)
    acc_ref[0, 0] += jnp.sum(logz - picked)

    @pl.when(pl.program_id(0) == NQB - 1)
    def _fin():
        loss_ref[0, 0] = acc_ref[0, 0] * (1.0 / Q)


_tc_classify = pl.pallas_call(
    _tc_body,
    grid=(NQB,),
    in_specs=[
        pl.BlockSpec((NC * NWAY, D), lambda i: (0, 0)),
        pl.BlockSpec((NC, NWAY), lambda i: (0, 0)),
        pl.BlockSpec((QBLK, D), lambda i: (i, 0)),
        pl.BlockSpec((D, D), lambda i: (0, 0)),
        pl.BlockSpec((1, 1, QBLK), lambda i: (i, 0, 0)),
    ],
    out_specs=[
        pl.BlockSpec((QBLK, NWAY), lambda i: (i, 0)),
        pl.BlockSpec(memory_space=pltpu.SMEM),
    ],
    out_shape=[
        jax.ShapeDtypeStruct((Q, NWAY), jnp.float32),
        jax.ShapeDtypeStruct((1, 1), jnp.float32),
    ],
    scratch_shapes=[
        pltpu.VMEM((NWAY, D), jnp.float32),
        pltpu.VMEM((1, NWAY), jnp.float32),
        pltpu.SMEM((1, 1), jnp.float32),
    ],
)


def kernel(support_x, support_labels, query_x, query_labels, n_way, W):
    del n_way
    sums, counts = _sc_segment_sums(support_x, support_labels.astype(jnp.int32))
    qlab = query_labels.astype(jnp.int32).reshape(NQB, 1, QBLK)
    logits, loss = _tc_classify(sums, counts.reshape(NC, NWAY), query_x, W, qlab)
    return logits, loss[0, 0]

# --- scband reference (transcript-rebuilt; emitter-appended) ---
"""Pipeline reference for scband-prototypical-network-67877663146441 (READ-ONLY COPY).

The authoritative reference and input builder live on the scoring server;
editing this copy changes nothing except your own understanding.
"""

import jax, jax.numpy as jnp
import numpy as np

N_S = 100000
Q = 8192
D = 128
NWAY = 512


def setup_inputs(seed: int = 0) -> dict:
    key = jax.random.key(seed)
    k1, k2, k3, k4, k5 = jax.random.split(key, 5)
    support_x = jax.random.normal(k1, (N_S, D), dtype=jnp.float32)
    support_labels = jax.random.randint(k2, (N_S,), 0, NWAY)
    query_x = jax.random.normal(k3, (Q, D), dtype=jnp.float32)
    query_labels = jax.random.randint(k4, (Q,), 0, NWAY)
    # encoder parameter (MPNNEncoder stand-in: single linear projection)
    W = jax.random.normal(k5, (D, D), dtype=jnp.float32) / np.sqrt(D)
    return {
        "support_x": support_x,
        "support_labels": support_labels,
        "query_x": query_x,
        "query_labels": query_labels,
        "n_way": NWAY,
        "W": W,
    }


def reference(support_x, support_labels, query_x, query_labels, n_way, W):
    # encoder
    h_s = support_x @ W
    h_q = query_x @ W
    # prototypes via scatter-add (segment sum) over support labels
    seg_ids = support_labels + 0 * n_way
    prototypes = jax.ops.segment_sum(h_s, seg_ids, num_segments=NWAY)
    counts = jax.ops.segment_sum(
        jnp.ones((support_labels.shape[0],), dtype=jnp.float32),
        seg_ids,
        num_segments=NWAY,
    )
    prototypes = prototypes / jnp.clip(counts, 1.0, None)[:, None]
    # euclidean distance (cdist, p=2) via ||a||^2 + ||b||^2 - 2ab
    d2 = (
        jnp.sum(h_q * h_q, axis=1, keepdims=True)
        + jnp.sum(prototypes * prototypes, axis=1)[None, :]
        - 2.0 * (h_q @ prototypes.T)
    )
    dists = jnp.sqrt(jnp.clip(d2, 1e-12, None))
    logits = -dists
    # cross-entropy on query set
    logZ = jax.nn.logsumexp(logits, axis=1)
    picked = jnp.take_along_axis(logits, query_labels[:, None], axis=1)[:, 0]
    loss = jnp.mean(logZ - picked)
    return (logits, loss)

if __name__ == "__main__":
    import jax
    _d = setup_inputs()
    print(jax.jit(kernel)(*tuple(_d.values())))

</pallas_src>

<mosaic_0001>
#map = affine_map<(d0, d1) -> (0, 0)>
#map1 = affine_map<(d0, d1) -> (0)>
module attributes {stable_mosaic.version = 14 : i64} {
  func.func @_sc_segment_sums(%arg0: i32, %arg1: i32, %arg2: memref<100000x128xf32, #tpu.memory_space<hbm>>, %arg3: memref<100000xi32, #tpu.memory_space<hbm>>, %arg4: memref<1024x128xf32, #tpu.memory_space<hbm>>, %arg5: memref<1024xf32, #tpu.memory_space<hbm>>, %arg6: memref<128x128xf32, #tpu.memory_space<vmem>>, %arg7: memref<128x128xf32, #tpu.memory_space<vmem>>, %arg8: memref<128xi32, #tpu.memory_space<vmem>>, %arg9: memref<128xi32, #tpu.memory_space<vmem>>, %arg10: memref<32xi32, #tpu.memory_space<vmem>>, %arg11: memref<!tpu.dma_semaphore, #tpu.memory_space<semaphore_mem>>, %arg12: memref<!tpu.dma_semaphore, #tpu.memory_space<semaphore_mem>>, %arg13: memref<!tpu.dma_semaphore, #tpu.memory_space<semaphore_mem>>, %arg14: memref<!tpu.dma_semaphore, #tpu.memory_space<semaphore_mem>>, %arg15: memref<!tpu.dma_semaphore, #tpu.memory_space<semaphore_mem>>, %arg16: memref<!tpu.dma_semaphore, #tpu.memory_space<semaphore_mem>>, %arg17: memref<!tpu.dma_semaphore, #tpu.memory_space<semaphore_mem>>, %arg18: memref<!tpu.dma_semaphore, #tpu.memory_space<semaphore_mem>>, %arg19: memref<32x128xf32, #tpu.memory_space<vmem>>, %arg20: memref<128xf32, #tpu.memory_space<vmem>>, %arg21: memref<32xf32, #tpu.memory_space<vmem>>, %arg22: memref<512x128xf32, #tpu.memory_space<vmem_shared>>, %arg23: memref<512xf32, #tpu.memory_space<vmem_shared>>) attributes {dimension_semantics = [#tpu.dimension_semantics<core_parallel>, #tpu.dimension_semantics<subcore_parallel>], iteration_bounds = array<i64: 2, 16>, scalar_prefetch = 0 : i64, scratch_operands = 18 : i64, tpu.core_type = #tpu.core_type<sc_vector_subcore>, window_params = [{transform_indices = #map}, {transform_indices = #map1}, {transform_indices = #map}, {transform_indices = #map1}]} {
    %mul3A = arith.constant 16 : i32
    %mul3A_0 = arith.muli %arg0, %mul3A : i32
    %add3A = arith.addi %mul3A_0, %arg1 : i32
    %sub3A = arith.constant 812 : i32
    %sub3A_1 = arith.subi %sub3A, %add3A : i32
    %jit3A = arith.constant 32 : i32
    %div3A = arith.divsi %sub3A_1, %jit3A : i32
    %sign3A = arith.constant 0 : i32
    %sign3A_2 = arith.cmpi sgt, %sub3A_1, %sign3A : i32
    %sign3A_3 = arith.extui %sign3A_2 : i1 to i32
    %sign3A_4 = arith.constant 0 : i32
    %sign3A_5 = arith.cmpi slt, %sub3A_1, %sign3A_4 : i32
    %sign3A_6 = arith.extui %sign3A_5 : i1 to i32
    %sign3A_7 = arith.subi %sign3A_3, %sign3A_6 : i32
    %sign3A_8 = arith.constant 0 : i32
    %sign3A_9 = arith.cmpi sgt, %jit3A, %sign3A_8 : i32
    %sign3A_10 = arith.extui %sign3A_9 : i1 to i32
    %sign3A_11 = arith.constant 0 : i32
    %sign3A_12 = arith.cmpi slt, %jit3A, %sign3A_11 : i32
    %sign3A_13 = arith.extui %sign3A_12 : i1 to i32
    %sign3A_14 = arith.subi %sign3A_10, %sign3A_13 : i32
    %ne3A = arith.cmpi ne, %sign3A_7, %sign3A_14 : i32
    %rem3A = arith.remsi %sub3A_1, %jit3A : i32
    %ne3A_15 = arith.constant 0 : i32
    %ne3A_16 = arith.cmpi ne, %rem3A, %ne3A_15 : i32
    %and3A = arith.andi %ne3A, %ne3A_16 : i1
    %sub3A_17 = arith.constant 1 : i32
    %sub3A_18 = arith.subi %div3A, %sub3A_17 : i32
    %select_n3A = arith.select %and3A, %sub3A_18, %div3A : i32
    %add3A_19 = arith.constant 0 : i32
    %add3A_20 = arith.addi %add3A, %add3A_19 : i32
    %mul3A_21 = arith.constant 128 : i32
    %mul3A_22 = arith.muli %add3A_20, %mul3A_21 : i32
    %dma_start3A = arith.constant 0 : i32
    %dma_start3A_23 = tpu.memref_slice %arg2[%mul3A_22, %dma_start3A] : memref<100000x128xf32, #tpu.memory_space<hbm>> -> memref<128x128xf32, #tpu.memory_space<hbm>>
    %dma_start3A_24 = arith.constant 0 : i32
    %dma_start3A_25 = tpu.memref_slice %arg2[%mul3A_22, %dma_start3A_24] : memref<100000x128xf32, #tpu.memory_space<hbm>> -> memref<128x128xf32, #tpu.memory_space<hbm>>
    tpu.enqueue_dma source(%dma_start3A_25 : memref<128x128xf32, #tpu.memory_space<hbm>>) target(%arg6 : memref<128x128xf32, #tpu.memory_space<vmem>>) target_semaphore(%arg11 : memref<!tpu.dma_semaphore, #tpu.memory_space<semaphore_mem>>)
    %dma_start3A_26 = tpu.memref_slice %arg3[%mul3A_22] : memref<100000xi32, #tpu.memory_space<hbm>> -> memref<128xi32, #tpu.memory_space<hbm>>
    %dma_start3A_27 = tpu.memref_slice %arg3[%mul3A_22] : memref<100000xi32, #tpu.memory_space<hbm>> -> memref<128xi32, #tpu.memory_space<hbm>>
    tpu.enqueue_dma source(%dma_start3A_27 : memref<128xi32, #tpu.memory_space<hbm>>) target(%arg8 : memref<128xi32, #tpu.memory_space<vmem>>) target_semaphore(%arg13 : memref<!tpu.dma_semaphore, #tpu.memory_space<semaphore_mem>>)
    %broadcast_in_dim3A = arith.constant 0.000000e+00 : f32
    %broadcast_in_dim3A_28 = vector.broadcast %broadcast_in_dim3A : f32 to vector<16xf32>
    %scan3A = arith.constant 0 : i32
    %scan3A_29 = arith.constant 0 : i32
    %scan3A_30 = arith.constant 32 : i32
    %scan3A_31 = arith.addi %scan3A_29, %scan3A_30 : i32
    %scan3A_32 = arith.constant 1 : i32
    scf.for %scan3A_172 = %scan3A_29 to %scan3A_31 step %scan3A_32  : i32 {
      %swap3A_173 = arith.index_cast %scan3A_172 : i32 to index
      %swap3A_174 = arith.constant 0 : index
      %swap3A_175 = tpu.vector_load %arg19[%swap3A_173, %swap3A_174] {strides = array<i32>} : memref<32x128xf32, #tpu.memory_space<vmem>>, vector<1x16xf32>,
      %swap3A_176 = vector.shape_cast %swap3A_175 : vector<1x16xf32> to vector<16xf32>
      %swap3A_177 = vector.shape_cast %broadcast_in_dim3A_28 : vector<16xf32> to vector<1x16xf32>
      tpu.vector_store %arg19[%swap3A_173, %swap3A_174], %swap3A_177 {strides = array<i32>} : memref<32x128xf32, #tpu.memory_space<vmem>>, vector<1x16xf32>,
      %swap3A_178 = arith.index_cast %scan3A_172 : i32 to index
      %swap3A_179 = arith.constant 16 : index
      %swap3A_180 = tpu.vector_load %arg19[%swap3A_178, %swap3A_179] {strides = array<i32>} : memref<32x128xf32, #tpu.memory_space<vmem>>, vector<1x16xf32>,
      %swap3A_181 = vector.shape_cast %swap3A_180 : vector<1x16xf32> to vector<16xf32>
      %swap3A_182 = vector.shape_cast %broadcast_in_dim3A_28 : vector<16xf32> to vector<1x16xf32>
      tpu.vector_store %arg19[%swap3A_178, %swap3A_179], %swap3A_182 {strides = array<i32>} : memref<32x128xf32, #tpu.memory_space<vmem>>, vector<1x16xf32>,
      %swap3A_183 = arith.index_cast %scan3A_172 : i32 to index
      %swap3A_184 = arith.constant 32 : index
      %swap3A_185 = tpu.vector_load %arg19[%swap3A_183, %swap3A_184] {strides = array<i32>} : memref<32x128xf32, #tpu.memory_space<vmem>>, vector<1x16xf32>,
      %swap3A_186 = vector.shape_cast %swap3A_185 : vector<1x16xf32> to vector<16xf32>
      %swap3A_187 = vector.shape_cast %broadcast_in_dim3A_28 : vector<16xf32> to vector<1x16xf32>
      tpu.vector_store %arg19[%swap3A_183, %swap3A_184], %swap3A_187 {strides = array<i32>} : memref<32x128xf32, #tpu.memory_space<vmem>>, vector<1x16xf32>,
      %swap3A_188 = arith.index_cast %scan3A_172 : i32 to index
      %swap3A_189 = arith.constant 48 : index
      %swap3A_190 = tpu.vector_load %arg19[%swap3A_188, %swap3A_189] {strides = array<i32>} : memref<32x128xf32, #tpu.memory_space<vmem>>, vector<1x16xf32>,
      %swap3A_191 = vector.shape_cast %swap3A_190 : vector<1x16xf32> to vector<16xf32>
      %swap3A_192 = vector.shape_cast %broadcast_in_dim3A_28 : vector<16xf32> to vector<1x16xf32>
      tpu.vector_store %arg19[%swap3A_188, %swap3A_189], %swap3A_192 {strides = array<i32>} : memref<32x128xf32, #tpu.memory_space<vmem>>, vector<1x16xf32>,
      %swap3A_193 = arith.index_cast %scan3A_172 : i32 to index
      %swap3A_194 = arith.constant 64 : index
      %swap3A_195 = tpu.vector_load %arg19[%swap3A_193, %swap3A_194] {strides = array<i32>} : memref<32x128xf32, #tpu.memory_space<vmem>>, vector<1x16xf32>,
      %swap3A_196 = vector.shape_cast %swap3A_195 : vector<1x16xf32> to vector<16xf32>
      %swap3A_197 = vector.shape_cast %broadcast_in_dim3A_28 : vector<16xf32> to vector<1x16xf32>
      tpu.vector_store %arg19[%swap3A_193, %swap3A_194], %swap3A_197 {strides = array<i32>} : memref<32x128xf32, #tpu.memory_space<vmem>>, vector<1x16xf32>,
      %swap3A_198 = arith.index_cast %scan3A_172 : i32 to index
      %swap3A_199 = arith.constant 80 : index
      %swap3A_200 = tpu.vector_load %arg19[%swap3A_198, %swap3A_199] {strides = array<i32>} : memref<32x128xf32, #tpu.memory_space<vmem>>, vector<1x16xf32>,
      %swap3A_201 = vector.shape_cast %swap3A_200 : vector<1x16xf32> to vector<16xf32>
      %swap3A_202 = vector.shape_cast %broadcast_in_dim3A_28 : vector<16xf32> to vector<1x16xf32>
      tpu.vector_store %arg19[%swap3A_198, %swap3A_199], %swap3A_202 {strides = array<i32>} : memref<32x128xf32, #tpu.memory_space<vmem>>, vector<1x16xf32>,
      %swap3A_203 = arith.index_cast %scan3A_172 : i32 to index
      %swap3A_204 = arith.constant 96 : index
      %swap3A_205 = tpu.vector_load %arg19[%swap3A_203, %swap3A_204] {strides = array<i32>} : memref<32x128xf32, #tpu.memory_space<vmem>>, vector<1x16xf32>,
      %swap3A_206 = vector.shape_cast %swap3A_205 : vector<1x16xf32> to vector<16xf32>
      %swap3A_207 = vector.shape_cast %broadcast_in_dim3A_28 : vector<16xf32> to vector<1x16xf32>
      tpu.vector_store %arg19[%swap3A_203, %swap3A_204], %swap3A_207 {strides = array<i32>} : memref<32x128xf32, #tpu.memory_space<vmem>>, vector<1x16xf32>,
      %swap3A_208 = arith.index_cast %scan3A_172 : i32 to index
      %swap3A_209 = arith.constant 112 : index
      %swap3A_210 = tpu.vector_load %arg19[%swap3A_208, %swap3A_209] {strides = array<i32>} : memref<32x128xf32, #tpu.memory_space<vmem>>, vector<1x16xf32>,
      %swap3A_211 = vector.shape_cast %swap3A_210 : vector<1x16xf32> to vector<16xf32>
      %swap3A_212 = vector.shape_cast %broadcast_in_dim3A_28 : vector<16xf32> to vector<1x16xf32>
      tpu.vector_store %arg19[%swap3A_208, %swap3A_209], %swap3A_212 {strides = array<i32>} : memref<32x128xf32, #tpu.memory_space<vmem>>, vector<1x16xf32>,
    }
    %scan3A_33 = arith.constant 32 : i32
    %broadcast_in_dim3A_34 = arith.constant 1.000000e+00 : f32
    %broadcast_in_dim3A_35 = vector.broadcast %broadcast_in_dim3A_34 : f32 to vector<16xf32>
    %swap3A = arith.constant 0 : index
    %swap3A_36 = tpu.vector_load %arg20[%swap3A] {strides = array<i32>} : memref<128xf32, #tpu.memory_space<vmem>>, vector<16xf32>,
    %swap3A_37 = vector.shape_cast %swap3A_36 : vector<16xf32> to vector<16xf32>
    %swap3A_38 = vector.shape_cast %broadcast_in_dim3A_35 : vector<16xf32> to vector<16xf32>
    tpu.vector_store %arg20[%swap3A], %swap3A_38 {strides = array<i32>} : memref<128xf32, #tpu.memory_space<vmem>>, vector<16xf32>,
    %swap3A_39 = arith.constant 16 : index
    %swap3A_40 = tpu.vector_load %arg20[%swap3A_39] {strides = array<i32>} : memref<128xf32, #tpu.memory_space<vmem>>, vector<16xf32>,
    %swap3A_41 = vector.shape_cast %swap3A_40 : vector<16xf32> to vector<16xf32>
    %swap3A_42 = vector.shape_cast %broadcast_in_dim3A_35 : vector<16xf32> to vector<16xf32>
    tpu.vector_store %arg20[%swap3A_39], %swap3A_42 {strides = array<i32>} : memref<128xf32, #tpu.memory_space<vmem>>, vector<16xf32>,
    %swap3A_43 = arith.constant 32 : index
    %swap3A_44 = tpu.vector_load %arg20[%swap3A_43] {strides = array<i32>} : memref<128xf32, #tpu.memory_space<vmem>>, vector<16xf32>,
    %swap3A_45 = vector.shape_cast %swap3A_44 : vector<16xf32> to vector<16xf32>
    %swap3A_46 = vector.shape_cast %broadcast_in_dim3A_35 : vector<16xf32> to vector<16xf32>
    tpu.vector_store %arg20[%swap3A_43], %swap3A_46 {strides = array<i32>} : memref<128xf32, #tpu.memory_space<vmem>>, vector<16xf32>,
    %swap3A_47 = arith.constant 48 : index
    %swap3A_48 = tpu.vector_load %arg20[%swap3A_47] {strides = array<i32>} : memref<128xf32, #tpu.memory_space<vmem>>, vector<16xf32>,
    %swap3A_49 = vector.shape_cast %swap3A_48 : vector<16xf32> to vector<16xf32>
    %swap3A_50 = vector.shape_cast %broadcast_in_dim3A_35 : vector<16xf32> to vector<16xf32>
    tpu.vector_store %arg20[%swap3A_47], %swap3A_50 {strides = array<i32>} : memref<128xf32, #tpu.memory_space<vmem>>, vector<16xf32>,
    %swap3A_51 = arith.constant 64 : index
    %swap3A_52 = tpu.vector_load %arg20[%swap3A_51] {strides = array<i32>} : memref<128xf32, #tpu.memory_space<vmem>>, vector<16xf32>,
    %swap3A_53 = vector.shape_cast %swap3A_52 : vector<16xf32> to vector<16xf32>
    %swap3A_54 = vector.shape_cast %broadcast_in_dim3A_35 : vector<16xf32> to vector<16xf32>
    tpu.vector_store %arg20[%swap3A_51], %swap3A_54 {strides = array<i32>} : memref<128xf32, #tpu.memory_space<vmem>>, vector<16xf32>,
    %swap3A_55 = arith.constant 80 : index
    %swap3A_56 = tpu.vector_load %arg20[%swap3A_55] {strides = array<i32>} : memref<128xf32, #tpu.memory_space<vmem>>, vector<16xf32>,
    %swap3A_57 = vector.shape_cast %swap3A_56 : vector<16xf32> to vector<16xf32>
    %swap3A_58 = vector.shape_cast %broadcast_in_dim3A_35 : vector<16xf32> to vector<16xf32>
    tpu.vector_store %arg20[%swap3A_55], %swap3A_58 {strides = array<i32>} : memref<128xf32, #tpu.memory_space<vmem>>, vector<16xf32>,
    %swap3A_59 = arith.constant 96 : index
    %swap3A_60 = tpu.vector_load %arg20[%swap3A_59] {strides = array<i32>} : memref<128xf32, #tpu.memory_space<vmem>>, vector<16xf32>,
    %swap3A_61 = vector.shape_cast %swap3A_60 : vector<16xf32> to vector<16xf32>
    %swap3A_62 = vector.shape_cast %broadcast_in_dim3A_35 : vector<16xf32> to vector<16xf32>
    tpu.vector_store %arg20[%swap3A_59], %swap3A_62 {strides = array<i32>} : memref<128xf32, #tpu.memory_space<vmem>>, vector<16xf32>,
    %swap3A_63 = arith.constant 112 : index
    %swap3A_64 = tpu.vector_load %arg20[%swap3A_63] {strides = array<i32>} : memref<128xf32, #tpu.memory_space<vmem>>, vector<16xf32>,
    %swap3A_65 = vector.shape_cast %swap3A_64 : vector<16xf32> to vector<16xf32>
    %swap3A_66 = vector.shape_cast %broadcast_in_dim3A_35 : vector<16xf32> to vector<16xf32>
    tpu.vector_store %arg20[%swap3A_63], %swap3A_66 {strides = array<i32>} : memref<128xf32, #tpu.memory_space<vmem>>, vector<16xf32>,
    %swap3A_67 = arith.constant 0 : index
    %swap3A_68 = tpu.vector_load %arg21[%swap3A_67] {strides = array<i32>} : memref<32xf32, #tpu.memory_space<vmem>>, vector<16xf32>,
    %swap3A_69 = vector.shape_cast %swap3A_68 : vector<16xf32> to vector<16xf32>
    %swap3A_70 = vector.shape_cast %broadcast_in_dim3A_28 : vector<16xf32> to vector<16xf32>
    tpu.vector_store %arg21[%swap3A_67], %swap3A_70 {strides = array<i32>} : memref<32xf32, #tpu.memory_space<vmem>>, vector<16xf32>,
    %swap3A_71 = arith.constant 16 : index
    %swap3A_72 = tpu.vector_load %arg21[%swap3A_71] {strides = array<i32>} : memref<32xf32, #tpu.memory_space<vmem>>, vector<16xf32>,
    %swap3A_73 = vector.shape_cast %swap3A_72 : vector<16xf32> to vector<16xf32>
    %swap3A_74 = vector.shape_cast %broadcast_in_dim3A_28 : vector<16xf32> to vector<16xf32>
    tpu.vector_store %arg21[%swap3A_71], %swap3A_74 {strides = array<i32>} : memref<32xf32, #tpu.memory_space<vmem>>, vector<16xf32>,
    %mul3A_75 = arith.constant 32 : i32
    %mul3A_76 = arith.muli %arg1, %mul3A_75 : i32
    "tpu.region"() ({
      %run_scoped3A = tpu.sem_alloc : memref<!tpu.dma_semaphore, #tpu.memory_space<semaphore_mem>>
      %dma_start3A_172 = arith.constant 0 : i32
      %dma_start3A_173 = tpu.memref_slice %arg22[%mul3A_76, %dma_start3A_172] : memref<512x128xf32, #tpu.memory_space<vmem_shared>> -> memref<32x128xf32, #tpu.memory_space<vmem_shared>>
      %dma_start3A_174 = arith.constant 0 : i32
      %dma_start3A_175 = tpu.memref_slice %arg22[%mul3A_76, %dma_start3A_174] : memref<512x128xf32, #tpu.memory_space<vmem_shared>> -> memref<32x128xf32, #tpu.memory_space<vmem_shared>>
      tpu.enqueue_dma source(%arg19 : memref<32x128xf32, #tpu.memory_space<vmem>>) target(%dma_start3A_175 : memref<32x128xf32, #tpu.memory_space<vmem_shared>>) target_semaphore(%run_scoped3A : memref<!tpu.dma_semaphore, #tpu.memory_space<semaphore_mem>>)
      %dma_wait3A = arith.constant 0 : i32
      %dma_wait3A_176 = tpu.memref_slice %arg22[%mul3A_76, %dma_wait3A] : memref<512x128xf32, #tpu.memory_space<vmem_shared>> -> memref<32x128xf32, #tpu.memory_space<vmem_shared>>
      %dma_wait3A_177 = arith.constant 0 : i32
      %dma_wait3A_178 = tpu.memref_slice %arg22[%mul3A_76, %dma_wait3A_177] : memref<512x128xf32, #tpu.memory_space<vmem_shared>> -> memref<32x128xf32, #tpu.memory_space<vmem_shared>>
      tpu.wait_dma2 semaphore(%run_scoped3A : memref<!tpu.dma_semaphore, #tpu.memory_space<semaphore_mem>>) src(%arg19 : memref<32x128xf32, #tpu.memory_space<vmem>>) dst(%dma_wait3A_178 : memref<32x128xf32, #tpu.memory_space<vmem_shared>>)
      tpu.yield
    }) : () -> ()
    %mul3A_77 = arith.constant 32 : i32
    %mul3A_78 = arith.muli %arg1, %mul3A_77 : i32
    "tpu.region"() ({
      %run_scoped3A = tpu.sem_alloc : memref<!tpu.dma_semaphore, #tpu.memory_space<semaphore_mem>>
      %dma_start3A_172 = tpu.memref_slice %arg23[%mul3A_78] : memref<512xf32, #tpu.memory_space<vmem_shared>> -> memref<32xf32, #tpu.memory_space<vmem_shared>>
      %dma_start3A_173 = tpu.memref_slice %arg23[%mul3A_78] : memref<512xf32, #tpu.memory_space<vmem_shared>> -> memref<32xf32, #tpu.memory_space<vmem_shared>>
      tpu.enqueue_dma source(%arg21 : memref<32xf32, #tpu.memory_space<vmem>>) target(%dma_start3A_173 : memref<32xf32, #tpu.memory_space<vmem_shared>>) target_semaphore(%run_scoped3A : memref<!tpu.dma_semaphore, #tpu.memory_space<semaphore_mem>>)
      %dma_wait3A = tpu.memref_slice %arg23[%mul3A_78] : memref<512xf32, #tpu.memory_space<vmem_shared>> -> memref<32xf32, #tpu.memory_space<vmem_shared>>
      %dma_wait3A_174 = tpu.memref_slice %arg23[%mul3A_78] : memref<512xf32, #tpu.memory_space<vmem_shared>> -> memref<32xf32, #tpu.memory_space<vmem_shared>>
      tpu.wait_dma2 semaphore(%run_scoped3A : memref<!tpu.dma_semaphore, #tpu.memory_space<semaphore_mem>>) src(%arg21 : memref<32xf32, #tpu.memory_space<vmem>>) dst(%dma_wait3A_174 : memref<32xf32, #tpu.memory_space<vmem_shared>>)
      tpu.yield
    }) : () -> ()
    %barrier3A = arith.constant 0 : index
    tpu.barrier barrier_id(%barrier3A)
    %add3A_79 = arith.constant 1 : i32
    %add3A_80 = arith.addi %select_n3A, %add3A_79 : i32
    %jit3A_81 = arith.constant 2 : i32
    %div3A_82 = arith.divsi %add3A_80, %jit3A_81 : i32
    %sign3A_83 = arith.constant 0 : i32
    %sign3A_84 = arith.cmpi sgt, %add3A_80, %sign3A_83 : i32
    %sign3A_85 = arith.extui %sign3A_84 : i1 to i32
    %sign3A_86 = arith.constant 0 : i32
    %sign3A_87 = arith.cmpi slt, %add3A_80, %sign3A_86 : i32
    %sign3A_88 = arith.extui %sign3A_87 : i1 to i32
    %sign3A_89 = arith.subi %sign3A_85, %sign3A_88 : i32
    %sign3A_90 = arith.constant 0 : i32
    %sign3A_91 = arith.cmpi sgt, %jit3A_81, %sign3A_90 : i32
    %sign3A_92 = arith.extui %sign3A_91 : i1 to i32
    %sign3A_93 = arith.constant 0 : i32
    %sign3A_94 = arith.cmpi slt, %jit3A_81, %sign3A_93 : i32
    %sign3A_95 = arith.extui %sign3A_94 : i1 to i32
    %sign3A_96 = arith.subi %sign3A_92, %sign3A_95 : i32
    %ne3A_97 = arith.cmpi ne, %sign3A_89, %sign3A_96 : i32
    %rem3A_98 = arith.remsi %add3A_80, %jit3A_81 : i32
    %ne3A_99 = arith.constant 0 : i32
    %ne3A_100 = arith.cmpi ne, %rem3A_98, %ne3A_99 : i32
    %and3A_101 = arith.andi %ne3A_97, %ne3A_100 : i1
    %sub3A_102 = arith.constant 1 : i32
    %sub3A_103 = arith.subi %div3A_82, %sub3A_102 : i32
    %select_n3A_104 = arith.select %and3A_101, %sub3A_103, %div3A_82 : i32
    %while3A = arith.constant 0 : i32
    %while3A_105 = arith.constant 0 : i32
    %while3A_106 = arith.subi %select_n3A_104, %while3A_105 : i32
    %while3A_107 = arith.addi %while3A_105, %while3A_106 : i32
    %while3A_108 = arith.constant 1 : i32
    %while3A_109 = arith.divsi %while3A_106, %while3A_108 : i32
    %while3A_110 = arith.muli %while3A_109, %while3A_108 : i32
    %while3A_111 = arith.addi %while3A_105, %while3A_110 : i32
    %while3A_112 = arith.constant 1 : i32
    scf.for %while3A_172 = %while3A_105 to %while3A_111 step %while3A_112  : i32 {
      %mul3A_173 = arith.constant 2 : i32
      %mul3A_174 = arith.muli %mul3A_173, %while3A_172 : i32
      %add3A_175 = arith.constant 0 : i32
      %add3A_176 = arith.addi %mul3A_174, %add3A_175 : i32
      %lt3A_177 = arith.cmpi slt, %add3A_176, %select_n3A : i32
      %convert_element_type3A_178 = arith.extui %lt3A_177 : i1 to i32
      %cond3A_179 = arith.constant 0 : i32
      %cond3A_180 = arith.cmpi ne, %convert_element_type3A_178, %cond3A_179 : i32
      scf.if %cond3A_180 {
        %dma_wait3A = arith.constant 0 : i32
        %dma_wait3A_189 = arith.constant 0 : i32
        %dma_wait3A_190 = tpu.memref_slice %arg2[%dma_wait3A, %dma_wait3A_189] : memref<100000x128xf32, #tpu.memory_space<hbm>> -> memref<128x128xf32, #tpu.memory_space<hbm>>
        %dma_wait3A_191 = arith.constant 0 : i32
        %dma_wait3A_192 = arith.constant 0 : i32
        %dma_wait3A_193 = tpu.memref_slice %arg2[%dma_wait3A_191, %dma_wait3A_192] : memref<100000x128xf32, #tpu.memory_space<hbm>> -> memref<128x128xf32, #tpu.memory_space<hbm>>
        tpu.wait_dma2 semaphore(%arg11 : memref<!tpu.dma_semaphore, #tpu.memory_space<semaphore_mem>>) src(%dma_wait3A_193 : memref<128x128xf32, #tpu.memory_space<hbm>>) dst(%arg6 : memref<128x128xf32, #tpu.memory_space<vmem>>)
        %dma_wait3A_194 = arith.constant 0 : i32
        %dma_wait3A_195 = tpu.memref_slice %arg3[%dma_wait3A_194] : memref<100000xi32, #tpu.memory_space<hbm>> -> memref<128xi32, #tpu.memory_space<hbm>>
        %dma_wait3A_196 = arith.constant 0 : i32
        %dma_wait3A_197 = tpu.memref_slice %arg3[%dma_wait3A_196] : memref<100000xi32, #tpu.memory_space<hbm>> -> memref<128xi32, #tpu.memory_space<hbm>>
        tpu.wait_dma2 semaphore(%arg13 : memref<!tpu.dma_semaphore, #tpu.memory_space<semaphore_mem>>) src(%dma_wait3A_197 : memref<128xi32, #tpu.memory_space<hbm>>) dst(%arg8 : memref<128xi32, #tpu.memory_space<vmem>>)
        %dma_start3A_198 = arith.constant 0 : i32
        %dma_start3A_199 = arith.constant 0 : i32
        %dma_start3A_200 = tpu.memref_slice %arg22[%dma_start3A_198, %dma_start3A_199] : memref<512x128xf32, #tpu.memory_space<vmem_shared>> -> memref<512x128xf32, #tpu.memory_space<vmem_shared>>
        tpu.enqueue_indirect_dma source(%arg6 : memref<128x128xf32, #tpu.memory_space<vmem>>) target(%dma_start3A_200 : memref<512x128xf32, #tpu.memory_space<vmem_shared>>) offsets(%arg8 : memref<128xi32, #tpu.memory_space<vmem>>) semaphore(%arg15 : memref<!tpu.dma_semaphore, #tpu.memory_space<semaphore_mem>>) {add = true}
        %dma_start3A_201 = arith.constant 0 : i32
        %dma_start3A_202 = tpu.memref_slice %arg23[%dma_start3A_201] : memref<512xf32, #tpu.memory_space<vmem_shared>> -> memref<512xf32, #tpu.memory_space<vmem_shared>>
        tpu.enqueue_indirect_dma source(%arg20 : memref<128xf32, #tpu.memory_space<vmem>>) target(%dma_start3A_202 : memref<512xf32, #tpu.memory_space<vmem_shared>>) offsets(%arg8 : memref<128xi32, #tpu.memory_space<vmem>>) semaphore(%arg17 : memref<!tpu.dma_semaphore, #tpu.memory_space<semaphore_mem>>) {add = true}
        %ge3A = arith.constant 1 : i32
        %ge3A_203 = arith.cmpi sge, %add3A_176, %ge3A : i32
        %convert_element_type3A_204 = arith.extui %ge3A_203 : i1 to i32
        %cond3A_205 = arith.constant 0 : i32
        %cond3A_206 = arith.cmpi ne, %convert_element_type3A_204, %cond3A_205 : i32
        scf.if %cond3A_206 {
          %dma_wait3A_213 = arith.constant 0 : i32
          %dma_wait3A_214 = arith.constant 0 : i32
          %dma_wait3A_215 = tpu.memref_slice %arg22[%dma_wait3A_213, %dma_wait3A_214] : memref<512x128xf32, #tpu.memory_space<vmem_shared>> -> memref<512x128xf32, #tpu.memory_space<vmem_shared>>
          tpu.wait_indirect_dma semaphore(%arg16 : memref<!tpu.dma_semaphore, #tpu.memory_space<semaphore_mem>>) src(%arg7 : memref<128x128xf32, #tpu.memory_space<vmem>>) dst(%dma_wait3A_215 : memref<512x128xf32, #tpu.memory_space<vmem_shared>>)
          %dma_wait3A_216 = arith.constant 0 : i32
          %dma_wait3A_217 = tpu.memref_slice %arg23[%dma_wait3A_216] : memref<512xf32, #tpu.memory_space<vmem_shared>> -> memref<512xf32, #tpu.memory_space<vmem_shared>>
          tpu.wait_indirect_dma semaphore(%arg18 : memref<!tpu.dma_semaphore, #tpu.memory_space<semaphore_mem>>) src(%arg20 : memref<128xf32, #tpu.memory_space<vmem>>) dst(%dma_wait3A_217 : memref<512xf32, #tpu.memory_space<vmem_shared>>)
        } else {
        }
        %add3A_207 = arith.constant 1 : i32
        %add3A_208 = arith.addi %add3A_176, %add3A_207 : i32
        %lt3A_209 = arith.cmpi slt, %add3A_208, %select_n3A : i32
        %convert_element_type3A_210 = arith.extui %lt3A_209 : i1 to i32
        %cond3A_211 = arith.constant 0 : i32
        %cond3A_212 = arith.cmpi ne, %convert_element_type3A_210, %cond3A_211 : i32
        scf.if %cond3A_212 {
          %add3A_213 = arith.constant 1 : i32
          %add3A_214 = arith.addi %add3A_176, %add3A_213 : i32
          %mul3A_215 = arith.constant 32 : i32
          %mul3A_216 = arith.muli %add3A_214, %mul3A_215 : i32
          %add3A_217 = arith.addi %add3A, %mul3A_216 : i32
          %mul3A_218 = arith.constant 128 : i32
          %mul3A_219 = arith.muli %add3A_217, %mul3A_218 : i32
          %dma_start3A_220 = arith.constant 0 : i32
          %dma_start3A_221 = tpu.memref_slice %arg2[%mul3A_219, %dma_start3A_220] : memref<100000x128xf32, #tpu.memory_space<hbm>> -> memref<128x128xf32, #tpu.memory_space<hbm>>
          %dma_start3A_222 = arith.constant 0 : i32
          %dma_start3A_223 = tpu.memref_slice %arg2[%mul3A_219, %dma_start3A_222] : memref<100000x128xf32, #tpu.memory_space<hbm>> -> memref<128x128xf32, #tpu.memory_space<hbm>>
          tpu.enqueue_dma source(%dma_start3A_223 : memref<128x128xf32, #tpu.memory_space<hbm>>) target(%arg7 : memref<128x128xf32, #tpu.memory_space<vmem>>) target_semaphore(%arg12 : memref<!tpu.dma_semaphore, #tpu.memory_space<semaphore_mem>>)
          %dma_start3A_224 = tpu.memref_slice %arg3[%mul3A_219] : memref<100000xi32, #tpu.memory_space<hbm>> -> memref<128xi32, #tpu.memory_space<hbm>>
          %dma_start3A_225 = tpu.memref_slice %arg3[%mul3A_219] : memref<100000xi32, #tpu.memory_space<hbm>> -> memref<128xi32, #tpu.memory_space<hbm>>
          tpu.enqueue_dma source(%dma_start3A_225 : memref<128xi32, #tpu.memory_space<hbm>>) target(%arg9 : memref<128xi32, #tpu.memory_space<vmem>>) target_semaphore(%arg14 : memref<!tpu.dma_semaphore, #tpu.memory_space<semaphore_mem>>)
        } else {
        }
      } else {
      }
      %mul3A_181 = arith.constant 2 : i32
      %mul3A_182 = arith.muli %mul3A_181, %while3A_172 : i32
      %add3A_183 = arith.constant 1 : i32
      %add3A_184 = arith.addi %mul3A_182, %add3A_183 : i32
      %lt3A_185 = arith.cmpi slt, %add3A_184, %select_n3A : i32
      %convert_element_type3A_186 = arith.extui %lt3A_185 : i1 to i32
      %cond3A_187 = arith.constant 0 : i32
      %cond3A_188 = arith.cmpi ne, %convert_element_type3A_186, %cond3A_187 : i32
      scf.if %cond3A_188 {
        %dma_wait3A = arith.constant 0 : i32
        %dma_wait3A_189 = arith.constant 0 : i32
        %dma_wait3A_190 = tpu.memref_slice %arg2[%dma_wait3A, %dma_wait3A_189] : memref<100000x128xf32, #tpu.memory_space<hbm>> -> memref<128x128xf32, #tpu.memory_space<hbm>>
        %dma_wait3A_191 = arith.constant 0 : i32
        %dma_wait3A_192 = arith.constant 0 : i32
        %dma_wait3A_193 = tpu.memref_slice %arg2[%dma_wait3A_191, %dma_wait3A_192] : memref<100000x128xf32, #tpu.memory_space<hbm>> -> memref<128x128xf32, #tpu.memory_space<hbm>>
        tpu.wait_dma2 semaphore(%arg12 : memref<!tpu.dma_semaphore, #tpu.memory_space<semaphore_mem>>) src(%dma_wait3A_193 : memref<128x128xf32, #tpu.memory_space<hbm>>) dst(%arg7 : memref<128x128xf32, #tpu.memory_space<vmem>>)
        %dma_wait3A_194 = arith.constant 0 : i32
        %dma_wait3A_195 = tpu.memref_slice %arg3[%dma_wait3A_194] : memref<100000xi32, #tpu.memory_space<hbm>> -> memref<128xi32, #tpu.memory_space<hbm>>
        %dma_wait3A_196 = arith.constant 0 : i32
        %dma_wait3A_197 = tpu.memref_slice %arg3[%dma_wait3A_196] : memref<100000xi32, #tpu.memory_space<hbm>> -> memref<128xi32, #tpu.memory_space<hbm>>
        tpu.wait_dma2 semaphore(%arg14 : memref<!tpu.dma_semaphore, #tpu.memory_space<semaphore_mem>>) src(%dma_wait3A_197 : memref<128xi32, #tpu.memory_space<hbm>>) dst(%arg9 : memref<128xi32, #tpu.memory_space<vmem>>)
        %dma_start3A_198 = arith.constant 0 : i32
        %dma_start3A_199 = arith.constant 0 : i32
        %dma_start3A_200 = tpu.memref_slice %arg22[%dma_start3A_198, %dma_start3A_199] : memref<512x128xf32, #tpu.memory_space<vmem_shared>> -> memref<512x128xf32, #tpu.memory_space<vmem_shared>>
        tpu.enqueue_indirect_dma source(%arg7 : memref<128x128xf32, #tpu.memory_space<vmem>>) target(%dma_start3A_200 : memref<512x128xf32, #tpu.memory_space<vmem_shared>>) offsets(%arg9 : memref<128xi32, #tpu.memory_space<vmem>>) semaphore(%arg16 : memref<!tpu.dma_semaphore, #tpu.memory_space<semaphore_mem>>) {add = true}
        %dma_start3A_201 = arith.constant 0 : i32
        %dma_start3A_202 = tpu.memref_slice %arg23[%dma_start3A_201] : memref<512xf32, #tpu.memory_space<vmem_shared>> -> memref<512xf32, #tpu.memory_space<vmem_shared>>
        tpu.enqueue_indirect_dma source(%arg20 : memref<128xf32, #tpu.memory_space<vmem>>) target(%dma_start3A_202 : memref<512xf32, #tpu.memory_space<vmem_shared>>) offsets(%arg9 : memref<128xi32, #tpu.memory_space<vmem>>) semaphore(%arg18 : memref<!tpu.dma_semaphore, #tpu.memory_space<semaphore_mem>>) {add = true}
        %ge3A = arith.constant 1 : i32
        %ge3A_203 = arith.cmpi sge, %add3A_184, %ge3A : i32
        %convert_element_type3A_204 = arith.extui %ge3A_203 : i1 to i32
        %cond3A_205 = arith.constant 0 : i32
        %cond3A_206 = arith.cmpi ne, %convert_element_type3A_204, %cond3A_205 : i32
        scf.if %cond3A_206 {
          %dma_wait3A_213 = arith.constant 0 : i32
          %dma_wait3A_214 = arith.constant 0 : i32
          %dma_wait3A_215 = tpu.memref_slice %arg22[%dma_wait3A_213, %dma_wait3A_214] : memref<512x128xf32, #tpu.memory_space<vmem_shared>> -> memref<512x128xf32, #tpu.memory_space<vmem_shared>>
          tpu.wait_indirect_dma semaphore(%arg15 : memref<!tpu.dma_semaphore, #tpu.memory_space<semaphore_mem>>) src(%arg6 : memref<128x128xf32, #tpu.memory_space<vmem>>) dst(%dma_wait3A_215 : memref<512x128xf32, #tpu.memory_space<vmem_shared>>)
          %dma_wait3A_216 = arith.constant 0 : i32
          %dma_wait3A_217 = tpu.memref_slice %arg23[%dma_wait3A_216] : memref<512xf32, #tpu.memory_space<vmem_shared>> -> memref<512xf32, #tpu.memory_space<vmem_shared>>
          tpu.wait_indirect_dma semaphore(%arg17 : memref<!tpu.dma_semaphore, #tpu.memory_space<semaphore_mem>>) src(%arg20 : memref<128xf32, #tpu.memory_space<vmem>>) dst(%dma_wait3A_217 : memref<512xf32, #tpu.memory_space<vmem_shared>>)
        } else {
        }
        %add3A_207 = arith.constant 1 : i32
        %add3A_208 = arith.addi %add3A_184, %add3A_207 : i32
        %lt3A_209 = arith.cmpi slt, %add3A_208, %select_n3A : i32
        %convert_element_type3A_210 = arith.extui %lt3A_209 : i1 to i32
        %cond3A_211 = arith.constant 0 : i32
        %cond3A_212 = arith.cmpi ne, %convert_element_type3A_210, %cond3A_211 : i32
        scf.if %cond3A_212 {
          %add3A_213 = arith.constant 1 : i32
          %add3A_214 = arith.addi %add3A_184, %add3A_213 : i32
          %mul3A_215 = arith.constant 32 : i32
          %mul3A_216 = arith.muli %add3A_214, %mul3A_215 : i32
          %add3A_217 = arith.addi %add3A, %mul3A_216 : i32
          %mul3A_218 = arith.constant 128 : i32
          %mul3A_219 = arith.muli %add3A_217, %mul3A_218 : i32
          %dma_start3A_220 = arith.constant 0 : i32
          %dma_start3A_221 = tpu.memref_slice %arg2[%mul3A_219, %dma_start3A_220] : memref<100000x128xf32, #tpu.memory_space<hbm>> -> memref<128x128xf32, #tpu.memory_space<hbm>>
          %dma_start3A_222 = arith.constant 0 : i32
          %dma_start3A_223 = tpu.memref_slice %arg2[%mul3A_219, %dma_start3A_222] : memref<100000x128xf32, #tpu.memory_space<hbm>> -> memref<128x128xf32, #tpu.memory_space<hbm>>
          tpu.enqueue_dma source(%dma_start3A_223 : memref<128x128xf32, #tpu.memory_space<hbm>>) target(%arg6 : memref<128x128xf32, #tpu.memory_space<vmem>>) target_semaphore(%arg11 : memref<!tpu.dma_semaphore, #tpu.memory_space<semaphore_mem>>)
          %dma_start3A_224 = tpu.memref_slice %arg3[%mul3A_219] : memref<100000xi32, #tpu.memory_space<hbm>> -> memref<128xi32, #tpu.memory_space<hbm>>
          %dma_start3A_225 = tpu.memref_slice %arg3[%mul3A_219] : memref<100000xi32, #tpu.memory_space<hbm>> -> memref<128xi32, #tpu.memory_space<hbm>>
          tpu.enqueue_dma source(%dma_start3A_225 : memref<128xi32, #tpu.memory_space<hbm>>) target(%arg8 : memref<128xi32, #tpu.memory_space<vmem>>) target_semaphore(%arg13 : memref<!tpu.dma_semaphore, #tpu.memory_space<semaphore_mem>>)
        } else {
        }
      } else {
      }
    }
    %while3A_113 = arith.constant 1 : i32
    scf.for %while3A_172 = %while3A_111 to %while3A_107 step %while3A_113  : i32 {
      %mul3A_173 = arith.constant 2 : i32
      %mul3A_174 = arith.muli %mul3A_173, %while3A_172 : i32
      %add3A_175 = arith.constant 0 : i32
      %add3A_176 = arith.addi %mul3A_174, %add3A_175 : i32
      %lt3A_177 = arith.cmpi slt, %add3A_176, %select_n3A : i32
      %convert_element_type3A_178 = arith.extui %lt3A_177 : i1 to i32
      %cond3A_179 = arith.constant 0 : i32
      %cond3A_180 = arith.cmpi ne, %convert_element_type3A_178, %cond3A_179 : i32
      scf.if %cond3A_180 {
        %dma_wait3A = arith.constant 0 : i32
        %dma_wait3A_189 = arith.constant 0 : i32
        %dma_wait3A_190 = tpu.memref_slice %arg2[%dma_wait3A, %dma_wait3A_189] : memref<100000x128xf32, #tpu.memory_space<hbm>> -> memref<128x128xf32, #tpu.memory_space<hbm>>
        %dma_wait3A_191 = arith.constant 0 : i32
        %dma_wait3A_192 = arith.constant 0 : i32
        %dma_wait3A_193 = tpu.memref_slice %arg2[%dma_wait3A_191, %dma_wait3A_192] : memref<100000x128xf32, #tpu.memory_space<hbm>> -> memref<128x128xf32, #tpu.memory_space<hbm>>
        tpu.wait_dma2 semaphore(%arg11 : memref<!tpu.dma_semaphore, #tpu.memory_space<semaphore_mem>>) src(%dma_wait3A_193 : memref<128x128xf32, #tpu.memory_space<hbm>>) dst(%arg6 : memref<128x128xf32, #tpu.memory_space<vmem>>)
        %dma_wait3A_194 = arith.constant 0 : i32
        %dma_wait3A_195 = tpu.memref_slice %arg3[%dma_wait3A_194] : memref<100000xi32, #tpu.memory_space<hbm>> -> memref<128xi32, #tpu.memory_space<hbm>>
        %dma_wait3A_196 = arith.constant 0 : i32
        %dma_wait3A_197 = tpu.memref_slice %arg3[%dma_wait3A_196] : memref<100000xi32, #tpu.memory_space<hbm>> -> memref<128xi32, #tpu.memory_space<hbm>>
        tpu.wait_dma2 semaphore(%arg13 : memref<!tpu.dma_semaphore, #tpu.memory_space<semaphore_mem>>) src(%dma_wait3A_197 : memref<128xi32, #tpu.memory_space<hbm>>) dst(%arg8 : memref<128xi32, #tpu.memory_space<vmem>>)
        %dma_start3A_198 = arith.constant 0 : i32
        %dma_start3A_199 = arith.constant 0 : i32
        %dma_start3A_200 = tpu.memref_slice %arg22[%dma_start3A_198, %dma_start3A_199] : memref<512x128xf32, #tpu.memory_space<vmem_shared>> -> memref<512x128xf32, #tpu.memory_space<vmem_shared>>
        tpu.enqueue_indirect_dma source(%arg6 : memref<128x128xf32, #tpu.memory_space<vmem>>) target(%dma_start3A_200 : memref<512x128xf32, #tpu.memory_space<vmem_shared>>) offsets(%arg8 : memref<128xi32, #tpu.memory_space<vmem>>) semaphore(%arg15 : memref<!tpu.dma_semaphore, #tpu.memory_space<semaphore_mem>>) {add = true}
        %dma_start3A_201 = arith.constant 0 : i32
        %dma_start3A_202 = tpu.memref_slice %arg23[%dma_start3A_201] : memref<512xf32, #tpu.memory_space<vmem_shared>> -> memref<512xf32, #tpu.memory_space<vmem_shared>>
        tpu.enqueue_indirect_dma source(%arg20 : memref<128xf32, #tpu.memory_space<vmem>>) target(%dma_start3A_202 : memref<512xf32, #tpu.memory_space<vmem_shared>>) offsets(%arg8 : memref<128xi32, #tpu.memory_space<vmem>>) semaphore(%arg17 : memref<!tpu.dma_semaphore, #tpu.memory_space<semaphore_mem>>) {add = true}
        %ge3A = arith.constant 1 : i32
        %ge3A_203 = arith.cmpi sge, %add3A_176, %ge3A : i32
        %convert_element_type3A_204 = arith.extui %ge3A_203 : i1 to i32
        %cond3A_205 = arith.constant 0 : i32
        %cond3A_206 = arith.cmpi ne, %convert_element_type3A_204, %cond3A_205 : i32
        scf.if %cond3A_206 {
          %dma_wait3A_213 = arith.constant 0 : i32
          %dma_wait3A_214 = arith.constant 0 : i32
          %dma_wait3A_215 = tpu.memref_slice %arg22[%dma_wait3A_213, %dma_wait3A_214] : memref<512x128xf32, #tpu.memory_space<vmem_shared>> -> memref<512x128xf32, #tpu.memory_space<vmem_shared>>
          tpu.wait_indirect_dma semaphore(%arg16 : memref<!tpu.dma_semaphore, #tpu.memory_space<semaphore_mem>>) src(%arg7 : memref<128x128xf32, #tpu.memory_space<vmem>>) dst(%dma_wait3A_215 : memref<512x128xf32, #tpu.memory_space<vmem_shared>>)
          %dma_wait3A_216 = arith.constant 0 : i32
          %dma_wait3A_217 = tpu.memref_slice %arg23[%dma_wait3A_216] : memref<512xf32, #tpu.memory_space<vmem_shared>> -> memref<512xf32, #tpu.memory_space<vmem_shared>>
          tpu.wait_indirect_dma semaphore(%arg18 : memref<!tpu.dma_semaphore, #tpu.memory_space<semaphore_mem>>) src(%arg20 : memref<128xf32, #tpu.memory_space<vmem>>) dst(%dma_wait3A_217 : memref<512xf32, #tpu.memory_space<vmem_shared>>)
        } else {
        }
        %add3A_207 = arith.constant 1 : i32
        %add3A_208 = arith.addi %add3A_176, %add3A_207 : i32
        %lt3A_209 = arith.cmpi slt, %add3A_208, %select_n3A : i32
        %convert_element_type3A_210 = arith.extui %lt3A_209 : i1 to i32
        %cond3A_211 = arith.constant 0 : i32
        %cond3A_212 = arith.cmpi ne, %convert_element_type3A_210, %cond3A_211 : i32
        scf.if %cond3A_212 {
          %add3A_213 = arith.constant 1 : i32
          %add3A_214 = arith.addi %add3A_176, %add3A_213 : i32
          %mul3A_215 = arith.constant 32 : i32
          %mul3A_216 = arith.muli %add3A_214, %mul3A_215 : i32
          %add3A_217 = arith.addi %add3A, %mul3A_216 : i32
          %mul3A_218 = arith.constant 128 : i32
          %mul3A_219 = arith.muli %add3A_217, %mul3A_218 : i32
          %dma_start3A_220 = arith.constant 0 : i32
          %dma_start3A_221 = tpu.memref_slice %arg2[%mul3A_219, %dma_start3A_220] : memref<100000x128xf32, #tpu.memory_space<hbm>> -> memref<128x128xf32, #tpu.memory_space<hbm>>
          %dma_start3A_222 = arith.constant 0 : i32
          %dma_start3A_223 = tpu.memref_slice %arg2[%mul3A_219, %dma_start3A_222] : memref<100000x128xf32, #tpu.memory_space<hbm>> -> memref<128x128xf32, #tpu.memory_space<hbm>>
          tpu.enqueue_dma source(%dma_start3A_223 : memref<128x128xf32, #tpu.memory_space<hbm>>) target(%arg7 : memref<128x128xf32, #tpu.memory_space<vmem>>) target_semaphore(%arg12 : memref<!tpu.dma_semaphore, #tpu.memory_space<semaphore_mem>>)
          %dma_start3A_224 = tpu.memref_slice %arg3[%mul3A_219] : memref<100000xi32, #tpu.memory_space<hbm>> -> memref<128xi32, #tpu.memory_space<hbm>>
          %dma_start3A_225 = tpu.memref_slice %arg3[%mul3A_219] : memref<100000xi32, #tpu.memory_space<hbm>> -> memref<128xi32, #tpu.memory_space<hbm>>
          tpu.enqueue_dma source(%dma_start3A_225 : memref<128xi32, #tpu.memory_space<hbm>>) target(%arg9 : memref<128xi32, #tpu.memory_space<vmem>>) target_semaphore(%arg14 : memref<!tpu.dma_semaphore, #tpu.memory_space<semaphore_mem>>)
        } else {
        }
      } else {
      }
      %mul3A_181 = arith.constant 2 : i32
      %mul3A_182 = arith.muli %mul3A_181, %while3A_172 : i32
      %add3A_183 = arith.constant 1 : i32
      %add3A_184 = arith.addi %mul3A_182, %add3A_183 : i32
      %lt3A_185 = arith.cmpi slt, %add3A_184, %select_n3A : i32
      %convert_element_type3A_186 = arith.extui %lt3A_185 : i1 to i32
      %cond3A_187 = arith.constant 0 : i32
      %cond3A_188 = arith.cmpi ne, %convert_element_type3A_186, %cond3A_187 : i32
      scf.if %cond3A_188 {
        %dma_wait3A = arith.constant 0 : i32
        %dma_wait3A_189 = arith.constant 0 : i32
        %dma_wait3A_190 = tpu.memref_slice %arg2[%dma_wait3A, %dma_wait3A_189] : memref<100000x128xf32, #tpu.memory_space<hbm>> -> memref<128x128xf32, #tpu.memory_space<hbm>>
        %dma_wait3A_191 = arith.constant 0 : i32
        %dma_wait3A_192 = arith.constant 0 : i32
        %dma_wait3A_193 = tpu.memref_slice %arg2[%dma_wait3A_191, %dma_wait3A_192] : memref<100000x128xf32, #tpu.memory_space<hbm>> -> memref<128x128xf32, #tpu.memory_space<hbm>>
        tpu.wait_dma2 semaphore(%arg12 : memref<!tpu.dma_semaphore, #tpu.memory_space<semaphore_mem>>) src(%dma_wait3A_193 : memref<128x128xf32, #tpu.memory_space<hbm>>) dst(%arg7 : memref<128x128xf32, #tpu.memory_space<vmem>>)
        %dma_wait3A_194 = arith.constant 0 : i32
        %dma_wait3A_195 = tpu.memref_slice %arg3[%dma_wait3A_194] : memref<100000xi32, #tpu.memory_space<hbm>> -> memref<128xi32, #tpu.memory_space<hbm>>
        %dma_wait3A_196 = arith.constant 0 : i32
        %dma_wait3A_197 = tpu.memref_slice %arg3[%dma_wait3A_196] : memref<100000xi32, #tpu.memory_space<hbm>> -> memref<128xi32, #tpu.memory_space<hbm>>
        tpu.wait_dma2 semaphore(%arg14 : memref<!tpu.dma_semaphore, #tpu.memory_space<semaphore_mem>>) src(%dma_wait3A_197 : memref<128xi32, #tpu.memory_space<hbm>>) dst(%arg9 : memref<128xi32, #tpu.memory_space<vmem>>)
        %dma_start3A_198 = arith.constant 0 : i32
        %dma_start3A_199 = arith.constant 0 : i32
        %dma_start3A_200 = tpu.memref_slice %arg22[%dma_start3A_198, %dma_start3A_199] : memref<512x128xf32, #tpu.memory_space<vmem_shared>> -> memref<512x128xf32, #tpu.memory_space<vmem_shared>>
        tpu.enqueue_indirect_dma source(%arg7 : memref<128x128xf32, #tpu.memory_space<vmem>>) target(%dma_start3A_200 : memref<512x128xf32, #tpu.memory_space<vmem_shared>>) offsets(%arg9 : memref<128xi32, #tpu.memory_space<vmem>>) semaphore(%arg16 : memref<!tpu.dma_semaphore, #tpu.memory_space<semaphore_mem>>) {add = true}
        %dma_start3A_201 = arith.constant 0 : i32
        %dma_start3A_202 = tpu.memref_slice %arg23[%dma_start3A_201] : memref<512xf32, #tpu.memory_space<vmem_shared>> -> memref<512xf32, #tpu.memory_space<vmem_shared>>
        tpu.enqueue_indirect_dma source(%arg20 : memref<128xf32, #tpu.memory_space<vmem>>) target(%dma_start3A_202 : memref<512xf32, #tpu.memory_space<vmem_shared>>) offsets(%arg9 : memref<128xi32, #tpu.memory_space<vmem>>) semaphore(%arg18 : memref<!tpu.dma_semaphore, #tpu.memory_space<semaphore_mem>>) {add = true}
        %ge3A = arith.constant 1 : i32
        %ge3A_203 = arith.cmpi sge, %add3A_184, %ge3A : i32
        %convert_element_type3A_204 = arith.extui %ge3A_203 : i1 to i32
        %cond3A_205 = arith.constant 0 : i32
        %cond3A_206 = arith.cmpi ne, %convert_element_type3A_204, %cond3A_205 : i32
        scf.if %cond3A_206 {
          %dma_wait3A_213 = arith.constant 0 : i32
          %dma_wait3A_214 = arith.constant 0 : i32
          %dma_wait3A_215 = tpu.memref_slice %arg22[%dma_wait3A_213, %dma_wait3A_214] : memref<512x128xf32, #tpu.memory_space<vmem_shared>> -> memref<512x128xf32, #tpu.memory_space<vmem_shared>>
          tpu.wait_indirect_dma semaphore(%arg15 : memref<!tpu.dma_semaphore, #tpu.memory_space<semaphore_mem>>) src(%arg6 : memref<128x128xf32, #tpu.memory_space<vmem>>) dst(%dma_wait3A_215 : memref<512x128xf32, #tpu.memory_space<vmem_shared>>)
          %dma_wait3A_216 = arith.constant 0 : i32
          %dma_wait3A_217 = tpu.memref_slice %arg23[%dma_wait3A_216] : memref<512xf32, #tpu.memory_space<vmem_shared>> -> memref<512xf32, #tpu.memory_space<vmem_shared>>
          tpu.wait_indirect_dma semaphore(%arg17 : memref<!tpu.dma_semaphore, #tpu.memory_space<semaphore_mem>>) src(%arg20 : memref<128xf32, #tpu.memory_space<vmem>>) dst(%dma_wait3A_217 : memref<512xf32, #tpu.memory_space<vmem_shared>>)
        } else {
        }
        %add3A_207 = arith.constant 1 : i32
        %add3A_208 = arith.addi %add3A_184, %add3A_207 : i32
        %lt3A_209 = arith.cmpi slt, %add3A_208, %select_n3A : i32
        %convert_element_type3A_210 = arith.extui %lt3A_209 : i1 to i32
        %cond3A_211 = arith.constant 0 : i32
        %cond3A_212 = arith.cmpi ne, %convert_element_type3A_210, %cond3A_211 : i32
        scf.if %cond3A_212 {
          %add3A_213 = arith.constant 1 : i32
          %add3A_214 = arith.addi %add3A_184, %add3A_213 : i32
          %mul3A_215 = arith.constant 32 : i32
          %mul3A_216 = arith.muli %add3A_214, %mul3A_215 : i32
          %add3A_217 = arith.addi %add3A, %mul3A_216 : i32
          %mul3A_218 = arith.constant 128 : i32
          %mul3A_219 = arith.muli %add3A_217, %mul3A_218 : i32
          %dma_start3A_220 = arith.constant 0 : i32
          %dma_start3A_221 = tpu.memref_slice %arg2[%mul3A_219, %dma_start3A_220] : memref<100000x128xf32, #tpu.memory_space<hbm>> -> memref<128x128xf32, #tpu.memory_space<hbm>>
          %dma_start3A_222 = arith.constant 0 : i32
          %dma_start3A_223 = tpu.memref_slice %arg2[%mul3A_219, %dma_start3A_222] : memref<100000x128xf32, #tpu.memory_space<hbm>> -> memref<128x128xf32, #tpu.memory_space<hbm>>
          tpu.enqueue_dma source(%dma_start3A_223 : memref<128x128xf32, #tpu.memory_space<hbm>>) target(%arg6 : memref<128x128xf32, #tpu.memory_space<vmem>>) target_semaphore(%arg11 : memref<!tpu.dma_semaphore, #tpu.memory_space<semaphore_mem>>)
          %dma_start3A_224 = tpu.memref_slice %arg3[%mul3A_219] : memref<100000xi32, #tpu.memory_space<hbm>> -> memref<128xi32, #tpu.memory_space<hbm>>
          %dma_start3A_225 = tpu.memref_slice %arg3[%mul3A_219] : memref<100000xi32, #tpu.memory_space<hbm>> -> memref<128xi32, #tpu.memory_space<hbm>>
          tpu.enqueue_dma source(%dma_start3A_225 : memref<128xi32, #tpu.memory_space<hbm>>) target(%arg8 : memref<128xi32, #tpu.memory_space<vmem>>) target_semaphore(%arg13 : memref<!tpu.dma_semaphore, #tpu.memory_space<semaphore_mem>>)
        } else {
        }
      } else {
      }
    }
    %jit3A_114 = arith.constant 2 : i32
    %eq3A = arith.constant 0 : i32
    %eq3A_115 = arith.cmpi eq, %jit3A_114, %eq3A : i32
    %jit3A_116 = arith.constant 1 : i32
    %select_n3A_117 = arith.select %eq3A_115, %jit3A_116, %jit3A_114 : i32
    %rem3A_118 = arith.remsi %select_n3A, %select_n3A_117 : i32
    %ne3A_119 = arith.constant 0 : i32
    %ne3A_120 = arith.cmpi ne, %rem3A_118, %ne3A_119 : i32
    %lt3A = arith.constant 0 : i32
    %lt3A_121 = arith.cmpi slt, %rem3A_118, %lt3A : i32
    %lt3A_122 = arith.constant 0 : i32
    %lt3A_123 = arith.cmpi slt, %select_n3A_117, %lt3A_122 : i32
    %ne3A_124 = arith.xori %lt3A_121, %lt3A_123 : i1
    %and3A_125 = arith.andi %ne3A_124, %ne3A_120 : i1
    %add3A_126 = arith.addi %rem3A_118, %select_n3A_117 : i32
    %select_n3A_127 = arith.select %and3A_125, %add3A_126, %rem3A_118 : i32
    %eq3A_128 = arith.constant 1 : i32
    %eq3A_129 = arith.cmpi eq, %select_n3A_127, %eq3A_128 : i32
    %convert_element_type3A = arith.extui %eq3A_129 : i1 to i32
    %cond3A = arith.constant 0 : i32
    %cond3A_130 = arith.cmpi ne, %convert_element_type3A, %cond3A : i32
    scf.if %cond3A_130 {
      %dma_wait3A = arith.constant 0 : i32
      %dma_wait3A_172 = arith.constant 0 : i32
      %dma_wait3A_173 = tpu.memref_slice %arg22[%dma_wait3A, %dma_wait3A_172] : memref<512x128xf32, #tpu.memory_space<vmem_shared>> -> memref<512x128xf32, #tpu.memory_space<vmem_shared>>
      tpu.wait_indirect_dma semaphore(%arg15 : memref<!tpu.dma_semaphore, #tpu.memory_space<semaphore_mem>>) src(%arg6 : memref<128x128xf32, #tpu.memory_space<vmem>>) dst(%dma_wait3A_173 : memref<512x128xf32, #tpu.memory_space<vmem_shared>>)
      %dma_wait3A_174 = arith.constant 0 : i32
      %dma_wait3A_175 = tpu.memref_slice %arg23[%dma_wait3A_174] : memref<512xf32, #tpu.memory_space<vmem_shared>> -> memref<512xf32, #tpu.memory_space<vmem_shared>>
      tpu.wait_indirect_dma semaphore(%arg17 : memref<!tpu.dma_semaphore, #tpu.memory_space<semaphore_mem>>) src(%arg20 : memref<128xf32, #tpu.memory_space<vmem>>) dst(%dma_wait3A_175 : memref<512xf32, #tpu.memory_space<vmem_shared>>)
    } else {
    }
    %jit3A_131 = arith.constant 2 : i32
    %eq3A_132 = arith.constant 0 : i32
    %eq3A_133 = arith.cmpi eq, %jit3A_131, %eq3A_132 : i32
    %jit3A_134 = arith.constant 1 : i32
    %select_n3A_135 = arith.select %eq3A_133, %jit3A_134, %jit3A_131 : i32
    %rem3A_136 = arith.remsi %select_n3A, %select_n3A_135 : i32
    %ne3A_137 = arith.constant 0 : i32
    %ne3A_138 = arith.cmpi ne, %rem3A_136, %ne3A_137 : i32
    %lt3A_139 = arith.constant 0 : i32
    %lt3A_140 = arith.cmpi slt, %rem3A_136, %lt3A_139 : i32
    %lt3A_141 = arith.constant 0 : i32
    %lt3A_142 = arith.cmpi slt, %select_n3A_135, %lt3A_141 : i32
    %ne3A_143 = arith.xori %lt3A_140, %lt3A_142 : i1
    %and3A_144 = arith.andi %ne3A_143, %ne3A_138 : i1
    %add3A_145 = arith.addi %rem3A_136, %select_n3A_135 : i32
    %select_n3A_146 = arith.select %and3A_144, %add3A_145, %rem3A_136 : i32
    %eq3A_147 = arith.constant 0 : i32
    %eq3A_148 = arith.cmpi eq, %select_n3A_146, %eq3A_147 : i32
    %convert_element_type3A_149 = arith.extui %eq3A_148 : i1 to i32
    %cond3A_150 = arith.constant 0 : i32
    %cond3A_151 = arith.cmpi ne, %convert_element_type3A_149, %cond3A_150 : i32
    scf.if %cond3A_151 {
      %dma_wait3A = arith.constant 0 : i32
      %dma_wait3A_172 = arith.constant 0 : i32
      %dma_wait3A_173 = tpu.memref_slice %arg22[%dma_wait3A, %dma_wait3A_172] : memref<512x128xf32, #tpu.memory_space<vmem_shared>> -> memref<512x128xf32, #tpu.memory_space<vmem_shared>>
      tpu.wait_indirect_dma semaphore(%arg16 : memref<!tpu.dma_semaphore, #tpu.memory_space<semaphore_mem>>) src(%arg7 : memref<128x128xf32, #tpu.memory_space<vmem>>) dst(%dma_wait3A_173 : memref<512x128xf32, #tpu.memory_space<vmem_shared>>)
      %dma_wait3A_174 = arith.constant 0 : i32
      %dma_wait3A_175 = tpu.memref_slice %arg23[%dma_wait3A_174] : memref<512xf32, #tpu.memory_space<vmem_shared>> -> memref<512xf32, #tpu.memory_space<vmem_shared>>
      tpu.wait_indirect_dma semaphore(%arg18 : memref<!tpu.dma_semaphore, #tpu.memory_space<semaphore_mem>>) src(%arg20 : memref<128xf32, #tpu.memory_space<vmem>>) dst(%dma_wait3A_175 : memref<512xf32, #tpu.memory_space<vmem_shared>>)
    } else {
    }
    %eq3A_152 = arith.constant 31 : i32
    %eq3A_153 = arith.cmpi eq, %add3A, %eq3A_152 : i32
    %convert_element_type3A_154 = arith.extui %eq3A_153 : i1 to i32
    %cond3A_155 = arith.constant 0 : i32
    %cond3A_156 = arith.cmpi ne, %convert_element_type3A_154, %cond3A_155 : i32
    scf.if %cond3A_156 {
      "tpu.region"() ({
        %run_scoped3A = tpu.sem_alloc : memref<!tpu.dma_semaphore, #tpu.memory_space<semaphore_mem>>
        %dma_start3A_172 = arith.constant 0 : i32
        %dma_start3A_173 = arith.constant 0 : i32
        %dma_start3A_174 = tpu.memref_slice %arg6[%dma_start3A_172, %dma_start3A_173] : memref<128x128xf32, #tpu.memory_space<vmem>> -> memref<32x128xf32, #tpu.memory_space<vmem>>
        %dma_start3A_175 = arith.constant 99968 : i32
        %dma_start3A_176 = arith.constant 0 : i32
        %dma_start3A_177 = tpu.memref_slice %arg2[%dma_start3A_175, %dma_start3A_176] : memref<100000x128xf32, #tpu.memory_space<hbm>> -> memref<32x128xf32, #tpu.memory_space<hbm>>
        %dma_start3A_178 = arith.constant 0 : i32
        %dma_start3A_179 = arith.constant 0 : i32
        %dma_start3A_180 = tpu.memref_slice %arg6[%dma_start3A_178, %dma_start3A_179] : memref<128x128xf32, #tpu.memory_space<vmem>> -> memref<32x128xf32, #tpu.memory_space<vmem>>
        %dma_start3A_181 = arith.constant 99968 : i32
        %dma_start3A_182 = arith.constant 0 : i32
        %dma_start3A_183 = tpu.memref_slice %arg2[%dma_start3A_181, %dma_start3A_182] : memref<100000x128xf32, #tpu.memory_space<hbm>> -> memref<32x128xf32, #tpu.memory_space<hbm>>
        tpu.enqueue_dma source(%dma_start3A_183 : memref<32x128xf32, #tpu.memory_space<hbm>>) target(%dma_start3A_180 : memref<32x128xf32, #tpu.memory_space<vmem>>) target_semaphore(%run_scoped3A : memref<!tpu.dma_semaphore, #tpu.memory_space<semaphore_mem>>)
        %dma_wait3A = arith.constant 0 : i32
        %dma_wait3A_184 = arith.constant 0 : i32
        %dma_wait3A_185 = tpu.memref_slice %arg6[%dma_wait3A, %dma_wait3A_184] : memref<128x128xf32, #tpu.memory_space<vmem>> -> memref<32x128xf32, #tpu.memory_space<vmem>>
        %dma_wait3A_186 = arith.constant 99968 : i32
        %dma_wait3A_187 = arith.constant 0 : i32
        %dma_wait3A_188 = tpu.memref_slice %arg2[%dma_wait3A_186, %dma_wait3A_187] : memref<100000x128xf32, #tpu.memory_space<hbm>> -> memref<32x128xf32, #tpu.memory_space<hbm>>
        %dma_wait3A_189 = arith.constant 0 : i32
        %dma_wait3A_190 = arith.constant 0 : i32
        %dma_wait3A_191 = tpu.memref_slice %arg6[%dma_wait3A_189, %dma_wait3A_190] : memref<128x128xf32, #tpu.memory_space<vmem>> -> memref<32x128xf32, #tpu.memory_space<vmem>>
        %dma_wait3A_192 = arith.constant 99968 : i32
        %dma_wait3A_193 = arith.constant 0 : i32
        %dma_wait3A_194 = tpu.memref_slice %arg2[%dma_wait3A_192, %dma_wait3A_193] : memref<100000x128xf32, #tpu.memory_space<hbm>> -> memref<32x128xf32, #tpu.memory_space<hbm>>
        tpu.wait_dma2 semaphore(%run_scoped3A : memref<!tpu.dma_semaphore, #tpu.memory_space<semaphore_mem>>) src(%dma_wait3A_194 : memref<32x128xf32, #tpu.memory_space<hbm>>) dst(%dma_wait3A_191 : memref<32x128xf32, #tpu.memory_space<vmem>>)
        tpu.yield
      }) : () -> ()
      "tpu.region"() ({
        %run_scoped3A = tpu.sem_alloc : memref<!tpu.dma_semaphore, #tpu.memory_space<semaphore_mem>>
        %dma_start3A_172 = arith.constant 99968 : i32
        %dma_start3A_173 = tpu.memref_slice %arg3[%dma_start3A_172] : memref<100000xi32, #tpu.memory_space<hbm>> -> memref<32xi32, #tpu.memory_space<hbm>>
        %dma_start3A_174 = arith.constant 99968 : i32
        %dma_start3A_175 = tpu.memref_slice %arg3[%dma_start3A_174] : memref<100000xi32, #tpu.memory_space<hbm>> -> memref<32xi32, #tpu.memory_space<hbm>>
        tpu.enqueue_dma source(%dma_start3A_175 : memref<32xi32, #tpu.memory_space<hbm>>) target(%arg10 : memref<32xi32, #tpu.memory_space<vmem>>) target_semaphore(%run_scoped3A : memref<!tpu.dma_semaphore, #tpu.memory_space<semaphore_mem>>)
        %dma_wait3A = arith.constant 99968 : i32
        %dma_wait3A_176 = tpu.memref_slice %arg3[%dma_wait3A] : memref<100000xi32, #tpu.memory_space<hbm>> -> memref<32xi32, #tpu.memory_space<hbm>>
        %dma_wait3A_177 = arith.constant 99968 : i32
        %dma_wait3A_178 = tpu.memref_slice %arg3[%dma_wait3A_177] : memref<100000xi32, #tpu.memory_space<hbm>> -> memref<32xi32, #tpu.memory_space<hbm>>
        tpu.wait_dma2 semaphore(%run_scoped3A : memref<!tpu.dma_semaphore, #tpu.memory_space<semaphore_mem>>) src(%dma_wait3A_178 : memref<32xi32, #tpu.memory_space<hbm>>) dst(%arg10 : memref<32xi32, #tpu.memory_space<vmem>>)
        tpu.yield
      }) : () -> ()
      "tpu.region"() ({
        %run_scoped3A = tpu.sem_alloc : memref<!tpu.dma_semaphore, #tpu.memory_space<semaphore_mem>>
        %dma_start3A_172 = arith.constant 0 : i32
        %dma_start3A_173 = arith.constant 0 : i32
        %dma_start3A_174 = tpu.memref_slice %arg6[%dma_start3A_172, %dma_start3A_173] : memref<128x128xf32, #tpu.memory_space<vmem>> -> memref<32x128xf32, #tpu.memory_space<vmem>>
        %dma_start3A_175 = arith.constant 0 : i32
        %dma_start3A_176 = arith.constant 0 : i32
        %dma_start3A_177 = tpu.memref_slice %arg22[%dma_start3A_175, %dma_start3A_176] : memref<512x128xf32, #tpu.memory_space<vmem_shared>> -> memref<512x128xf32, #tpu.memory_space<vmem_shared>>
        tpu.enqueue_indirect_dma source(%dma_start3A_174 : memref<32x128xf32, #tpu.memory_space<vmem>>) target(%dma_start3A_177 : memref<512x128xf32, #tpu.memory_space<vmem_shared>>) offsets(%arg10 : memref<32xi32, #tpu.memory_space<vmem>>) semaphore(%run_scoped3A : memref<!tpu.dma_semaphore, #tpu.memory_space<semaphore_mem>>) {add = true}
        %dma_wait3A = arith.constant 0 : i32
        %dma_wait3A_178 = arith.constant 0 : i32
        %dma_wait3A_179 = tpu.memref_slice %arg6[%dma_wait3A, %dma_wait3A_178] : memref<128x128xf32, #tpu.memory_space<vmem>> -> memref<32x128xf32, #tpu.memory_space<vmem>>
        %dma_wait3A_180 = arith.constant 0 : i32
        %dma_wait3A_181 = arith.constant 0 : i32
        %dma_wait3A_182 = tpu.memref_slice %arg22[%dma_wait3A_180, %dma_wait3A_181] : memref<512x128xf32, #tpu.memory_space<vmem_shared>> -> memref<512x128xf32, #tpu.memory_space<vmem_shared>>
        tpu.wait_indirect_dma semaphore(%run_scoped3A : memref<!tpu.dma_semaphore, #tpu.memory_space<semaphore_mem>>) src(%dma_wait3A_179 : memref<32x128xf32, #tpu.memory_space<vmem>>) dst(%dma_wait3A_182 : memref<512x128xf32, #tpu.memory_space<vmem_shared>>)
        tpu.yield
      }) : () -> ()
      "tpu.region"() ({
        %run_scoped3A = tpu.sem_alloc : memref<!tpu.dma_semaphore, #tpu.memory_space<semaphore_mem>>
        %dma_start3A_172 = arith.constant 0 : i32
        %dma_start3A_173 = tpu.memref_slice %arg20[%dma_start3A_172] : memref<128xf32, #tpu.memory_space<vmem>> -> memref<32xf32, #tpu.memory_space<vmem>>
        %dma_start3A_174 = arith.constant 0 : i32
        %dma_start3A_175 = tpu.memref_slice %arg23[%dma_start3A_174] : memref<512xf32, #tpu.memory_space<vmem_shared>> -> memref<512xf32, #tpu.memory_space<vmem_shared>>
        tpu.enqueue_indirect_dma source(%dma_start3A_173 : memref<32xf32, #tpu.memory_space<vmem>>) target(%dma_start3A_175 : memref<512xf32, #tpu.memory_space<vmem_shared>>) offsets(%arg10 : memref<32xi32, #tpu.memory_space<vmem>>) semaphore(%run_scoped3A : memref<!tpu.dma_semaphore, #tpu.memory_space<semaphore_mem>>) {add = true}
        %dma_wait3A = arith.constant 0 : i32
        %dma_wait3A_176 = tpu.memref_slice %arg20[%dma_wait3A] : memref<128xf32, #tpu.memory_space<vmem>> -> memref<32xf32, #tpu.memory_space<vmem>>
        %dma_wait3A_177 = arith.constant 0 : i32
        %dma_wait3A_178 = tpu.memref_slice %arg23[%dma_wait3A_177] : memref<512xf32, #tpu.memory_space<vmem_shared>> -> memref<512xf32, #tpu.memory_space<vmem_shared>>
        tpu.wait_indirect_dma semaphore(%run_scoped3A : memref<!tpu.dma_semaphore, #tpu.memory_space<semaphore_mem>>) src(%dma_wait3A_176 : memref<32xf32, #tpu.memory_space<vmem>>) dst(%dma_wait3A_178 : memref<512xf32, #tpu.memory_space<vmem_shared>>)
        tpu.yield
      }) : () -> ()
    } else {
    }
    %barrier3A_157 = arith.constant 0 : index
    tpu.barrier barrier_id(%barrier3A_157)
    %mul3A_158 = arith.constant 32 : i32
    %mul3A_159 = arith.muli %arg1, %mul3A_158 : i32
    %mul3A_160 = arith.constant 512 : i32
    %mul3A_161 = arith.muli %arg0, %mul3A_160 : i32
    %mul3A_162 = arith.constant 32 : i32
    %mul3A_163 = arith.muli %arg1, %mul3A_162 : i32
    %add3A_164 = arith.addi %mul3A_161, %mul3A_163 : i32
    "tpu.region"() ({
      %run_scoped3A = tpu.sem_alloc : memref<!tpu.dma_semaphore, #tpu.memory_space<semaphore_mem>>
      %dma_start3A_172 = arith.constant 0 : i32
      %dma_start3A_173 = tpu.memref_slice %arg4[%add3A_164, %dma_start3A_172] : memref<1024x128xf32, #tpu.memory_space<hbm>> -> memref<32x128xf32, #tpu.memory_space<hbm>>
      %dma_start3A_174 = arith.constant 0 : i32
      %dma_start3A_175 = tpu.memref_slice %arg22[%mul3A_159, %dma_start3A_174] : memref<512x128xf32, #tpu.memory_space<vmem_shared>> -> memref<32x128xf32, #tpu.memory_space<vmem_shared>>
      tpu.enqueue_dma source(%dma_start3A_175 : memref<32x128xf32, #tpu.memory_space<vmem_shared>>) target(%dma_start3A_173 : memref<32x128xf32, #tpu.memory_space<hbm>>) target_semaphore(%run_scoped3A : memref<!tpu.dma_semaphore, #tpu.memory_space<semaphore_mem>>)
      %dma_wait3A = arith.constant 0 : i32
      %dma_wait3A_176 = tpu.memref_slice %arg4[%add3A_164, %dma_wait3A] : memref<1024x128xf32, #tpu.memory_space<hbm>> -> memref<32x128xf32, #tpu.memory_space<hbm>>
      %dma_wait3A_177 = arith.constant 0 : i32
      %dma_wait3A_178 = tpu.memref_slice %arg22[%mul3A_159, %dma_wait3A_177] : memref<512x128xf32, #tpu.memory_space<vmem_shared>> -> memref<32x128xf32, #tpu.memory_space<vmem_shared>>
      tpu.wait_dma2 semaphore(%run_scoped3A : memref<!tpu.dma_semaphore, #tpu.memory_space<semaphore_mem>>) src(%dma_wait3A_178 : memref<32x128xf32, #tpu.memory_space<vmem_shared>>) dst(%dma_wait3A_176 : memref<32x128xf32, #tpu.memory_space<hbm>>)
      tpu.yield
    }) : () -> ()
    %mul3A_165 = arith.constant 32 : i32
    %mul3A_166 = arith.muli %arg1, %mul3A_165 : i32
    "tpu.region"() ({
      %run_scoped3A = tpu.sem_alloc : memref<!tpu.dma_semaphore, #tpu.memory_space<semaphore_mem>>
      %dma_start3A_172 = tpu.memref_slice %arg23[%mul3A_166] : memref<512xf32, #tpu.memory_space<vmem_shared>> -> memref<32xf32, #tpu.memory_space<vmem_shared>>
      %dma_start3A_173 = tpu.memref_slice %arg23[%mul3A_166] : memref<512xf32, #tpu.memory_space<vmem_shared>> -> memref<32xf32, #tpu.memory_space<vmem_shared>>
      tpu.enqueue_dma source(%dma_start3A_173 : memref<32xf32, #tpu.memory_space<vmem_shared>>) target(%arg21 : memref<32xf32, #tpu.memory_space<vmem>>) target_semaphore(%run_scoped3A : memref<!tpu.dma_semaphore, #tpu.memory_space<semaphore_mem>>)
      %dma_wait3A = tpu.memref_slice %arg23[%mul3A_166] : memref<512xf32, #tpu.memory_space<vmem_shared>> -> memref<32xf32, #tpu.memory_space<vmem_shared>>
      %dma_wait3A_174 = tpu.memref_slice %arg23[%mul3A_166] : memref<512xf32, #tpu.memory_space<vmem_shared>> -> memref<32xf32, #tpu.memory_space<vmem_shared>>
      tpu.wait_dma2 semaphore(%run_scoped3A : memref<!tpu.dma_semaphore, #tpu.memory_space<semaphore_mem>>) src(%dma_wait3A_174 : memref<32xf32, #tpu.memory_space<vmem_shared>>) dst(%arg21 : memref<32xf32, #tpu.memory_space<vmem>>)
      tpu.yield
    }) : () -> ()
    %mul3A_167 = arith.constant 512 : i32
    %mul3A_168 = arith.muli %arg0, %mul3A_167 : i32
    %mul3A_169 = arith.constant 32 : i32
    %mul3A_170 = arith.muli %arg1, %mul3A_169 : i32
    %add3A_171 = arith.addi %mul3A_168, %mul3A_170 : i32
    "tpu.region"() ({
      %run_scoped3A = tpu.sem_alloc : memref<!tpu.dma_semaphore, #tpu.memory_space<semaphore_mem>>
      %dma_start3A_172 = tpu.memref_slice %arg5[%add3A_171] : memref<1024xf32, #tpu.memory_space<hbm>> -> memref<32xf32, #tpu.memory_space<hbm>>
      %dma_start3A_173 = tpu.memref_slice %arg5[%add3A_171] : memref<1024xf32, #tpu.memory_space<hbm>> -> memref<32xf32, #tpu.memory_space<hbm>>
      tpu.enqueue_dma source(%arg21 : memref<32xf32, #tpu.memory_space<vmem>>) target(%dma_start3A_173 : memref<32xf32, #tpu.memory_space<hbm>>) target_semaphore(%run_scoped3A : memref<!tpu.dma_semaphore, #tpu.memory_space<semaphore_mem>>)
      %dma_wait3A = tpu.memref_slice %arg5[%add3A_171] : memref<1024xf32, #tpu.memory_space<hbm>> -> memref<32xf32, #tpu.memory_space<hbm>>
      %dma_wait3A_174 = tpu.memref_slice %arg5[%add3A_171] : memref<1024xf32, #tpu.memory_space<hbm>> -> memref<32xf32, #tpu.memory_space<hbm>>
      tpu.wait_dma2 semaphore(%run_scoped3A : memref<!tpu.dma_semaphore, #tpu.memory_space<semaphore_mem>>) src(%arg21 : memref<32xf32, #tpu.memory_space<vmem>>) dst(%dma_wait3A_174 : memref<32xf32, #tpu.memory_space<hbm>>)
      tpu.yield
    }) : () -> ()
    return
  }
}

module attributes {stable_mosaic.version = 14 : i64} {
  func.func @_tc_body(%arg0: i32, %arg1: memref<1024x128xf32, #tpu.memory_space<vmem>>, %arg2: memref<2x512xf32, #tpu.memory_space<vmem>>, %arg3: memref<1024x128xf32, #tpu.memory_space<vmem>>, %arg4: memref<128x128xf32, #tpu.memory_space<vmem>>, %arg5: memref<1x1x1024xi32, #tpu.memory_space<vmem>>, %arg6: memref<1024x512xf32, #tpu.memory_space<vmem>>, %arg7: memref<1x1xf32, #tpu.memory_space<smem>>, %arg8: memref<512x128xf32, #tpu.memory_space<vmem>>, %arg9: memref<1x512xf32, #tpu.memory_space<vmem>>, %arg10: memref<1x1xf32, #tpu.memory_space<smem>>) attributes {dimension_semantics = [#tpu.dimension_semantics<arbitrary>], iteration_bounds = array<i64: 8>, scalar_prefetch = 0 : i64, scratch_operands = 3 : i64, tpu.core_type = #tpu.core_type<tc>, window_params = [{pipeline_mode = #tpu.pipeline_mode<synchronous>, transform_indices = @transform_0, window_bounds = array<i64: 1024, 128>}, {pipeline_mode = #tpu.pipeline_mode<synchronous>, transform_indices = @transform_1, window_bounds = array<i64: 2, 512>}, {transform_indices = @transform_2, window_bounds = array<i64: 1024, 128>}, {pipeline_mode = #tpu.pipeline_mode<synchronous>, transform_indices = @transform_3, window_bounds = array<i64: 128, 128>}, {transform_indices = @transform_4, window_bounds = array<i64: 1, 1, 1024>}, {transform_indices = @transform_5, window_bounds = array<i64: 1024, 512>}, {transform_indices = @transform_6, window_bounds = array<i64: 1, 1>}]} {
    %eq3A = arith.constant 0 : i32
    %eq3A_0 = arith.cmpi eq, %arg0, %eq3A : i32
    %convert_element_type3A = arith.extui %eq3A_0 : i1 to i32
    %cond3A = arith.constant 0 : i32
    %cond3A_1 = arith.cmpi ne, %convert_element_type3A, %cond3A : i32
    scf.if %cond3A_1 {
      %get3A_66 = arith.constant 0 : index
      %get3A_67 = arith.constant 0 : index
      %get3A_68 = vector.load %arg1[%get3A_66, %get3A_67] : memref<1024x128xf32, #tpu.memory_space<vmem>>, vector<512x128xf32>
      %get3A_69 = arith.constant 512 : index
      %get3A_70 = arith.constant 0 : index
      %get3A_71 = vector.load %arg1[%get3A_69, %get3A_70] : memref<1024x128xf32, #tpu.memory_space<vmem>>, vector<512x128xf32>
      %add3A_72 = arith.addf %get3A_68, %get3A_71 : vector<512x128xf32>
      %get3A_73 = arith.constant 0 : index
      %get3A_74 = arith.constant 0 : index
      %get3A_75 = vector.load %arg2[%get3A_73, %get3A_74] : memref<2x512xf32, #tpu.memory_space<vmem>>, vector<1x512xf32>
      %get3A_76 = vector.shape_cast %get3A_75 : vector<1x512xf32> to vector<512xf32>
      %get3A_77 = arith.constant 1 : index
      %get3A_78 = arith.constant 0 : index
      %get3A_79 = vector.load %arg2[%get3A_77, %get3A_78] : memref<2x512xf32, #tpu.memory_space<vmem>>, vector<1x512xf32>
      %get3A_80 = vector.shape_cast %get3A_79 : vector<1x512xf32> to vector<512xf32>
      %add3A_81 = arith.addf %get3A_76, %get3A_80 : vector<512xf32>
      %max3A_82 = arith.constant 1.000000e+00 : f32
      %max3A_83 = vector.broadcast %max3A_82 : f32 to vector<512xf32>
      %max3A_84 = arith.maximumf %add3A_81, %max3A_83 : vector<512xf32>
      %get3A_85 = arith.constant 0 : index
      %get3A_86 = arith.constant 0 : index
      %get3A_87 = vector.load %arg4[%get3A_85, %get3A_86] : memref<128x128xf32, #tpu.memory_space<vmem>>, vector<128x128xf32>
      %dot_general3A_88 = arith.constant dense<0.000000e+00> : vector<512x128xf32>
      %dot_general3A_89 = tpu.matmul %add3A_72, %get3A_87, %dot_general3A_88 {dimension_numbers = #tpu.dot_dimension_numbers<[1], [0], [0], [1], [0, 0, 1, 1], [], []>, transpose_lhs_hint = false} : vector<512x128xf32>, vector<128x128xf32>, vector<512x128xf32> -> vector<512x128xf32>
      %broadcast_in_dim3A_90 = vector.shape_cast %max3A_84 : vector<512xf32> to vector<512x1xf32>
      %div3A = vector.broadcast %broadcast_in_dim3A_90 : vector<512x1xf32> to vector<512x128xf32>
      %div3A_91 = arith.divf %dot_general3A_89, %div3A : vector<512x128xf32>
      %swap3A_92 = arith.constant 0 : index
      %swap3A_93 = arith.constant 0 : index
      %swap3A_94 = vector.load %arg8[%swap3A_92, %swap3A_93] : memref<512x128xf32, #tpu.memory_space<vmem>>, vector<512x128xf32>
      tpu.vector_store %arg8[%swap3A_92, %swap3A_93], %div3A_91 {strides = array<i32>} : memref<512x128xf32, #tpu.memory_space<vmem>>, vector<512x128xf32>,
      %mul3A_95 = arith.mulf %div3A_91, %div3A_91 : vector<512x128xf32>
      %reduce_sum3A_96 = arith.constant dense<0.000000e+00> : vector<512xf32>
      %reduce_sum3A_97 = vector.multi_reduction <add>, %mul3A_95, %reduce_sum3A_96 [1] : vector<512x128xf32> to vector<512xf32>
      %swap3A_98 = arith.constant 0 : index
      %swap3A_99 = arith.constant 0 : index
      %swap3A_100 = vector.load %arg9[%swap3A_98, %swap3A_99] : memref<1x512xf32, #tpu.memory_space<vmem>>, vector<1x512xf32>
      %swap3A_101 = vector.shape_cast %swap3A_100 : vector<1x512xf32> to vector<512xf32>
      %swap3A_102 = vector.shape_cast %reduce_sum3A_97 : vector<512xf32> to vector<1x512xf32>
      tpu.vector_store %arg9[%swap3A_98, %swap3A_99], %swap3A_102 {strides = array<i32>} : memref<1x512xf32, #tpu.memory_space<vmem>>, vector<1x512xf32>,
      %swap3A_103 = arith.constant 0.000000e+00 : f32
      %swap3A_104 = arith.constant 0 : index
      %swap3A_105 = arith.constant 0 : index
      %swap3A_106 = memref.load %arg10[%swap3A_104, %swap3A_105] : memref<1x1xf32, #tpu.memory_space<smem>>
      memref.store %swap3A_103, %arg10[%swap3A_104, %swap3A_105] : memref<1x1xf32, #tpu.memory_space<smem>>
    } else {
    }
    %get3A = arith.constant 0 : index
    %get3A_2 = arith.constant 0 : index
    %get3A_3 = vector.load %arg3[%get3A, %get3A_2] : memref<1024x128xf32, #tpu.memory_space<vmem>>, vector<1024x128xf32>
    %get3A_4 = arith.constant 0 : index
    %get3A_5 = arith.constant 0 : index
    %get3A_6 = vector.load %arg4[%get3A_4, %get3A_5] : memref<128x128xf32, #tpu.memory_space<vmem>>, vector<128x128xf32>
    %dot_general3A = arith.constant dense<0.000000e+00> : vector<1024x128xf32>
    %dot_general3A_7 = tpu.matmul %get3A_3, %get3A_6, %dot_general3A {dimension_numbers = #tpu.dot_dimension_numbers<[1], [0], [0], [1], [0, 0, 1, 1], [], []>, transpose_lhs_hint = false} : vector<1024x128xf32>, vector<128x128xf32>, vector<1024x128xf32> -> vector<1024x128xf32>
    %get3A_8 = arith.constant 0 : index
    %get3A_9 = arith.constant 0 : index
    %get3A_10 = vector.load %arg8[%get3A_8, %get3A_9] : memref<512x128xf32, #tpu.memory_space<vmem>>, vector<512x128xf32>
    %dot_general3A_11 = arith.constant dense<0.000000e+00> : vector<1024x512xf32>
    %dot_general3A_12 = tpu.matmul %dot_general3A_7, %get3A_10, %dot_general3A_11 {dimension_numbers = #tpu.dot_dimension_numbers<[1], [1], [0], [0], [0, 0, 1, 0], [], []>, transpose_lhs_hint = false} : vector<1024x128xf32>, vector<512x128xf32>, vector<1024x512xf32> -> vector<1024x512xf32>
    %mul3A = arith.mulf %dot_general3A_7, %dot_general3A_7 : vector<1024x128xf32>
    %reduce_sum3A = arith.constant dense<0.000000e+00> : vector<1024xf32>
    %reduce_sum3A_13 = vector.multi_reduction <add>, %mul3A, %reduce_sum3A [1] : vector<1024x128xf32> to vector<1024xf32>
    %broadcast_in_dim3A = vector.shape_cast %reduce_sum3A_13 : vector<1024xf32> to vector<1024x1xf32>
    %get3A_14 = arith.constant 0 : index
    %get3A_15 = arith.constant 0 : index
    %get3A_16 = vector.load %arg9[%get3A_14, %get3A_15] : memref<1x512xf32, #tpu.memory_space<vmem>>, vector<1x512xf32>
    %get3A_17 = vector.shape_cast %get3A_16 : vector<1x512xf32> to vector<512xf32>
    %broadcast_in_dim3A_18 = vector.shape_cast %get3A_17 : vector<512xf32> to vector<1x512xf32>
    %add3A = vector.broadcast %broadcast_in_dim3A : vector<1024x1xf32> to vector<1024x512xf32>
    %add3A_19 = vector.broadcast %broadcast_in_dim3A_18 : vector<1x512xf32> to vector<1024x512xf32>
    %add3A_20 = arith.addf %add3A, %add3A_19 : vector<1024x512xf32>
    %mul3A_21 = arith.constant 2.000000e+00 : f32
    %mul3A_22 = vector.broadcast %mul3A_21 : f32 to vector<1024x512xf32>
    %mul3A_23 = arith.mulf %mul3A_22, %dot_general3A_12 : vector<1024x512xf32>
    %sub3A = arith.subf %add3A_20, %mul3A_23 : vector<1024x512xf32>
    %max3A = arith.constant 9.99999996E-13 : f32
    %max3A_24 = vector.broadcast %max3A : f32 to vector<1024x512xf32>
    %max3A_25 = arith.maximumf %sub3A, %max3A_24 : vector<1024x512xf32>
    %sqrt3A = math.sqrt %max3A_25 : vector<1024x512xf32>
    %neg3A = arith.constant 0.000000e+00 : f32
    %neg3A_26 = vector.broadcast %neg3A : f32 to vector<1024x512xf32>
    %neg3A_27 = arith.subf %neg3A_26, %sqrt3A : vector<1024x512xf32>
    %swap3A = arith.constant 0 : index
    %swap3A_28 = arith.constant 0 : index
    %swap3A_29 = vector.load %arg6[%swap3A, %swap3A_28] : memref<1024x512xf32, #tpu.memory_space<vmem>>, vector<1024x512xf32>
    tpu.vector_store %arg6[%swap3A, %swap3A_28], %neg3A_27 {strides = array<i32>} : memref<1024x512xf32, #tpu.memory_space<vmem>>, vector<1024x512xf32>,
    %reduce_max3A = arith.constant dense<0xFF800000> : vector<1024xf32>
    %reduce_max3A_30 = vector.multi_reduction <maximumf>, %neg3A_27, %reduce_max3A [1] : vector<1024x512xf32> to vector<1024xf32>
    %broadcast_in_dim3A_31 = vector.shape_cast %reduce_max3A_30 : vector<1024xf32> to vector<1024x1xf32>
    %sub3A_32 = vector.broadcast %broadcast_in_dim3A_31 : vector<1024x1xf32> to vector<1024x512xf32>
    %sub3A_33 = arith.subf %neg3A_27, %sub3A_32 : vector<1024x512xf32>
    %exp3A = math.exp %sub3A_33 : vector<1024x512xf32>
    %reduce_sum3A_34 = arith.constant dense<0.000000e+00> : vector<1024xf32>
    %reduce_sum3A_35 = vector.multi_reduction <add>, %exp3A, %reduce_sum3A_34 [1] : vector<1024x512xf32> to vector<1024xf32>
    %log3A = math.log %reduce_sum3A_35 : vector<1024xf32>
    %add3A_36 = arith.addf %reduce_max3A_30, %log3A : vector<1024xf32>
    %get3A_37 = arith.constant 0 : index
    %get3A_38 = arith.constant 0 : index
    %get3A_39 = arith.constant 0 : index
    %get3A_40 = vector.load %arg5[%get3A_37, %get3A_38, %get3A_39] : memref<1x1x1024xi32, #tpu.memory_space<vmem>>, vector<1x1x1024xi32>
    %get3A_41 = vector.shape_cast %get3A_40 : vector<1x1x1024xi32> to vector<1024xi32>
    %iota3A = tpu.iota {dimensions = array<i32: 1>} : vector<1024x512xi32>
    %broadcast_in_dim3A_42 = vector.shape_cast %get3A_41 : vector<1024xi32> to vector<1024x1xi32>
    %eq3A_43 = vector.broadcast %broadcast_in_dim3A_42 : vector<1024x1xi32> to vector<1024x512xi32>
    %eq3A_44 = arith.cmpi eq, %iota3A, %eq3A_43 : vector<1024x512xi32>
    %jit3A = arith.constant 0.000000e+00 : f32
    %broadcast_in_dim3A_45 = vector.broadcast %jit3A : f32 to vector<1024x512xf32>
    %select_n3A = arith.select %eq3A_44, %neg3A_27, %broadcast_in_dim3A_45 : vector<1024x512xi1>, vector<1024x512xf32>
    %reduce_sum3A_46 = arith.constant dense<0.000000e+00> : vector<1024xf32>
    %reduce_sum3A_47 = vector.multi_reduction <add>, %select_n3A, %reduce_sum3A_46 [1] : vector<1024x512xf32> to vector<1024xf32>
    %get3A_48 = arith.constant 0 : index
    %get3A_49 = arith.constant 0 : index
    %get3A_50 = memref.load %arg10[%get3A_48, %get3A_49] : memref<1x1xf32, #tpu.memory_space<smem>>
    %sub3A_51 = arith.subf %add3A_36, %reduce_sum3A_47 : vector<1024xf32>
    %reduce_sum3A_52 = vector.shape_cast %sub3A_51 : vector<1024xf32> to vector<1x1024xf32>
    %reduce_sum3A_53 = arith.constant dense<0.000000e+00> : vector<1xf32>
    %reduce_sum3A_54 = vector.multi_reduction <add>, %reduce_sum3A_52, %reduce_sum3A_53 [1] : vector<1x1024xf32> to vector<1xf32>
    %reduce_sum3A_55 = vector.shape_cast %reduce_sum3A_54 : vector<1xf32> to vector<1x1xf32>
    %reduce_sum3A_56 = vector.extract %reduce_sum3A_55[0, 0] : f32 from vector<1x1xf32>
    %add3A_57 = arith.addf %get3A_50, %reduce_sum3A_56 : f32
    %swap3A_58 = arith.constant 0 : index
    %swap3A_59 = arith.constant 0 : index
    %swap3A_60 = memref.load %arg10[%swap3A_58, %swap3A_59] : memref<1x1xf32, #tpu.memory_space<smem>>
    memref.store %add3A_57, %arg10[%swap3A_58, %swap3A_59] : memref<1x1xf32, #tpu.memory_space<smem>>
    %eq3A_61 = arith.constant 7 : i32
    %eq3A_62 = arith.cmpi eq, %arg0, %eq3A_61 : i32
    %convert_element_type3A_63 = arith.extui %eq3A_62 : i1 to i32
    %cond3A_64 = arith.constant 0 : i32
    %cond3A_65 = arith.cmpi ne, %convert_element_type3A_63, %cond3A_64 : i32
    scf.if %cond3A_65 {
      %get3A_66 = arith.constant 0 : index
      %get3A_67 = arith.constant 0 : index
      %get3A_68 = memref.load %arg10[%get3A_66, %get3A_67] : memref<1x1xf32, #tpu.memory_space<smem>>
      %mul3A_69 = arith.constant 1.22070313E-4 : f32
      %mul3A_70 = arith.mulf %get3A_68, %mul3A_69 : f32
      %swap3A_71 = arith.constant 0 : index
      %swap3A_72 = arith.constant 0 : index
      %swap3A_73 = memref.load %arg7[%swap3A_71, %swap3A_72] : memref<1x1xf32, #tpu.memory_space<smem>>
      memref.store %mul3A_70, %arg7[%swap3A_71, %swap3A_72] : memref<1x1xf32, #tpu.memory_space<smem>>
    } else {
    }
    return
  }
  func.func @transform_0(%arg0: i32) -> (i32, i32) {
    %c0_i32 = arith.constant 0 : i32
    %c0_i32_0 = arith.constant 0 : i32
    %c0_i32_1 = arith.constant 0 : i32
    return %c0_i32, %c0_i32_0 : i32, i32
  }
  func.func @transform_1(%arg0: i32) -> (i32, i32) {
    %c0_i32 = arith.constant 0 : i32
    %c0_i32_0 = arith.constant 0 : i32
    %c0_i32_1 = arith.constant 0 : i32
    return %c0_i32, %c0_i32_0 : i32, i32
  }
  func.func @transform_2(%arg0: i32) -> (i32, i32) {
    %c0_i32 = arith.constant 0 : i32
    %c0_i32_0 = arith.constant 0 : i32
    return %arg0, %c0_i32 : i32, i32
  }
  func.func @transform_3(%arg0: i32) -> (i32, i32) {
    %c0_i32 = arith.constant 0 : i32
    %c0_i32_0 = arith.constant 0 : i32
    %c0_i32_1 = arith.constant 0 : i32
    return %c0_i32, %c0_i32_0 : i32, i32
  }
  func.func @transform_4(%arg0: i32) -> (i32, i32, i32) {
    %c0_i32 = arith.constant 0 : i32
    %c0_i32_0 = arith.constant 0 : i32
    %c0_i32_1 = arith.constant 0 : i32
    return %arg0, %c0_i32, %c0_i32_0 : i32, i32, i32
  }
  func.func @transform_5(%arg0: i32) -> (i32, i32) {
    %c0_i32 = arith.constant 0 : i32
    %c0_i32_0 = arith.constant 0 : i32
    return %arg0, %c0_i32 : i32, i32
  }
  func.func @transform_6(%arg0: i32) -> (i32, i32) {
    %c0_i32 = arith.constant 0 : i32
    %c0_i32_0 = arith.constant 0 : i32
    %c0_i32_1 = arith.constant 0 : i32
    return %c0_i32, %c0_i32_0 : i32, i32
  }
}

</mosaic_0001>

<sc_bundles>
// kernel: kernel.4.cloned.1.call-start
scs
__scs_entry_jumppad:
0x0: {  	(pc) =	sbr.rel $0x88, $3  }
0x1: {  	(tag) =	ssettag $0x0;
	lr =	simm.s32 $0x1  }
0x2: {  	[smem:$0x3F9C] =	sst lr;
	_ =	strace $0xD0000000  }
0x3: {  	_ = 	snop  }
0x4: {  	_ = 	snop  }
0x5: {  	_ = 	snop  }
0x6: {  	_ = 	snop  }
0x7: {  	_ = 	snop  }
__scs_overlays_trampoline_lowered:
0x8: {  	[smem:$0x3FAB] =	sst s0  }
0x9: {  	[smem:$0x3FAC] =	sst s1  }
0xa: {  	[smem:$0x3FAD] =	sst s2  }
0xb: {  	[smem:$0x3FAE] =	sst s3  }
0xc: {  	[smem:$0x3FAF] =	sst s4  }
0xd: {  	[smem:$0x3FB0] =	sst s5  }
0xe: {  	[smem:$0x3FB1] =	sst s6  }
0xf: {  	[smem:$0x3FB2] =	sst s7  }
0x10: {  	[smem:$0x3FB3] =	sst s8  }
0x11: {  	[smem:$0x3FB4] =	sst s9;
	s0 =	simm.s32 @!p0 $0x0  }
0x12: {  	s1 =	sld [smem:$0x3F9A];
	s0 =	simm.s32 @p0 $0x1  }
0x13: {  	[smem:$0x3FB5] =	sst s0;
	s0 =	simm.s32 @!p1 $0x0  }
0x14: {  	s2 =	sld [smem:$0x3F99];
	s0 =	simm.s32 @p1 $0x1  }
0x15: {  	[smem:$0x3FB6] =	sst s0;
	s0 =	simm.s32 @!p2 $0x0  }
0x16: {  	s3 =	sld [smem:$0x3FDB];
	s0 =	simm.s32 @p2 $0x1  }
0x17: {  	s4 =	simm.s32 $0x1BF5;
	[smem:$0x3FB8] =	sst s0  }
0x18: {  	s0 =	sld [smem:$0x3F9B];
	_ =	swait.ge [sflag:s4], $0x0  }
0x19: {  	s7 =	sld [smem:$0x3F9C]  }
0x1a: {  	s8 =	sadd.s32 $0xFFFFE003, lr  }
0x1b: {  	s9 =	sadd.s32 $0xFFFFFEF7, lr;
	s5 =	simm.s32 $0xFFFFFFFF;
	p2 =	slt.u32 s8, $0xFFFFF086  }
0x1c: {  	p1 =	slt.u32 s9, $0xF7A;
	s5 =	simm.s32 @!p2 $0x0  }
0x1d: {  	s5 =	simm.s32 @p1 $0x1;
	p0 =	seq.s32 s7, s2  }
0x1e: {  	s7 =	smul.u32 @!p0 $0xF7A, s2;
	p2 =	seq.s32 @!p0 s5, $0x0  }
0x1f: {  	s9 =	smul.u32 $0xF7A, s1;
	s8 =	simm.s32 @!p0 $0x1BF5;
	p2 =	por !p2, p0  }
0x20: {  	[sflag:s8] =	ssyncset.s32 @!p0 $0xFFFFF086;
	s6 =	sadd.s32 @!p0 s3, s7;
	s7 =	simm.s32 @!p0 $0x108  }
0x21: {  	s3 =	sadd.s32 s3, s9;
	s6 =	sadd.s32 @!p0 $0x88, s6;
	s7 =	simm.s32 @p2 $0x1082  }
0x22: {  	[simem:s7], [sflag:s8] =	dma.local @!p0 [hbm:s6], $0xF7A  }
0x23: {  	s9 =	sor.u32 $0xD0000000, s2;
	s6 =	simm.s32 $0x108;
	_ =	swait.ge @!p0 [sflag:s8], $0x0  }
0x24: {  	s3 =	sadd.s32 $0x88, s3;
	s6 =	simm.s32 @!p1 $0x1082;
	[sflag:s4] =	ssyncset.s32 $0xFFFFF086  }
0x25: {  	[simem:s6], [sflag:s4] =	dma.local [hbm:s3], $0xF7A  }
0x26: {  	[smem:$0x3F9C] =	sst s1;
	(tag) =	ssettag s2;
	_ =	strace s9  }
0x27: {  	s1 =	sld [smem:$0x3FAC]  }
0x28: {  	s2 =	sld [smem:$0x3FAD]  }
0x29: {  	s4 =	sld [smem:$0x3FAF]  }
0x2a: {  	p0 =	seq.s32 s5, $0x0;
	s5 =	sld [smem:$0x3FB0]  }
0x2b: {  	s6 =	sld [smem:$0x3FB1]  }
0x2c: {  	s7 =	sld [smem:$0x3FB2]  }
0x2d: {  	s3 =	simm.s32 $0x108;
	s8 =	sld [smem:$0x3FB3]  }
0x2e: {  	s3 =	simm.s32 @!p0 $0x1082;
	s9 =	sld [smem:$0x3FB4]  }
0x2f: {  	lr =	sadd.s32 s0, s3;
	s0 =	sld [smem:$0x3FAB]  }
0x30: {  	s3 =	sld [smem:$0x3FAE]  }
0x31: {  	[smem:$0x3FB7] =	sst s10  }
0x32: {  	s10 =	sld [smem:$0x3FB5];
	_ =	sdelay $0x3  }
0x33: {  	p0 =	seq.s32 s10, $0x1;
	s10 =	sld [smem:$0x3FB7];
	_ =	sdelay $0x3  }
0x34: {  	[smem:$0x3FB7] =	sst s10  }
0x35: {  	s10 =	sld [smem:$0x3FB6];
	_ =	sdelay $0x3  }
0x36: {  	p1 =	seq.s32 s10, $0x1;
	s10 =	sld [smem:$0x3FB7];
	_ =	sdelay $0x3  }
0x37: {  	[smem:$0x3FB7] =	sst s10  }
0x38: {  	s10 =	sld [smem:$0x3FB8]  }
0x39: {  	_ = 	snop;
	(pc) =	sbr.ind lr, $3  }
0x3a: {  	_ = 	snop  }
0x3b: {  	_ = 	snop  }
0x3c: {  	p2 =	seq.s32 s10, $0x1;
	s10 =	sld [smem:$0x3FB7]  }
0x3d: {  	_ =	shalt  }
0x3e: {  	_ =	shalt  }
0x3f: {  	_ =	shalt  }
0x40: {  	_ =	shalt  }
0x41: {  	_ =	shalt  }
0x42: {  	_ =	shalt  }
0x43: {  	_ =	shalt  }
0x44: {  	_ =	shalt  }
0x45: {  	_ =	shalt  }
0x46: {  	_ =	shalt  }
0x47: {  	_ =	shalt  }
0x48: {  	_ =	shalt  }
0x49: {  	_ =	shalt  }
0x4a: {  	_ =	shalt  }
0x4b: {  	_ =	shalt  }
0x4c: {  	_ =	shalt  }
0x4d: {  	_ =	shalt  }
0x4e: {  	_ =	shalt  }
0x4f: {  	_ =	shalt  }
0x50: {  	_ =	shalt  }
0x51: {  	_ =	shalt  }
0x52: {  	_ =	shalt  }
0x53: {  	_ =	shalt  }
0x54: {  	_ =	shalt  }
0x55: {  	_ =	shalt  }
0x56: {  	_ =	shalt  }
0x57: {  	_ =	shalt  }
0x58: {  	_ =	shalt  }
0x59: {  	_ =	shalt  }
0x5a: {  	_ =	shalt  }
0x5b: {  	_ =	shalt  }
0x5c: {  	_ =	shalt  }
0x5d: {  	_ =	shalt  }
0x5e: {  	_ =	shalt  }
0x5f: {  	_ =	shalt  }
0x60: {  	_ =	shalt  }
0x61: {  	_ =	shalt  }
0x62: {  	_ =	shalt  }
0x63: {  	_ =	shalt  }
0x64: {  	_ =	shalt  }
0x65: {  	_ =	shalt  }
0x66: {  	_ =	shalt  }
0x67: {  	_ =	shalt  }
0x68: {  	_ =	shalt  }
0x69: {  	_ =	shalt  }
0x6a: {  	_ =	shalt  }
0x6b: {  	_ =	shalt  }
0x6c: {  	_ =	shalt  }
0x6d: {  	_ =	shalt  }
0x6e: {  	_ =	shalt  }
0x6f: {  	_ =	shalt  }
0x70: {  	_ =	shalt  }
0x71: {  	_ =	shalt  }
0x72: {  	_ =	shalt  }
0x73: {  	_ =	shalt  }
0x74: {  	_ =	shalt  }
0x75: {  	_ =	shalt  }
0x76: {  	_ =	shalt  }
0x77: {  	_ =	shalt  }
0x78: {  	_ =	shalt  }
0x79: {  	_ =	shalt  }
0x7a: {  	_ =	shalt  }
0x7b: {  	_ =	shalt  }
0x7c: {  	_ =	shalt  }
0x7d: {  	_ =	shalt  }
0x7e: {  	_ =	shalt  }
0x7f: {  	_ =	shalt  }
0x80: {  	_ =	shalt  }
0x81: {  	_ =	shalt  }
0x82: {  	_ =	shalt  }
0x83: {  	_ =	shalt  }
0x84: {  	_ =	shalt  }
0x85: {  	_ =	shalt  }
0x86: {  	_ =	shalt  }
0x87: {  	_ =	shalt  }
.Lfunc_end0:
.L_simem_size_0:
called_computation_lowered:
.L_overlay_start_0:
0x88: {  	s2 =	sld [smem:$0x3FD9]  }
0x89: {  	s3 =	sld [smem:$0x3FFE];
	_ =	sdelay $0x1  }
0x8a: {  	s1 =	srdreg.scid  }
0x8b: {  	s0 =	sand.u32 $0x1, s1  }
0x8c: {  	s14 =	sshll.u32 s0, $0xA;
	s2 =	sadd.s32 s3, s2  }
0x8d: {  	s2 =	sadd.s32 s2, s14  }
0x8e: {  	[smem:$0x3FC3] =	sst s2  }
0x8f: {  	_ = 	snop  }
0x90: {  	s2 =	sld [smem:$0x3FD0];
	_ =	sdelay $0x1  }
0x91: {  	s15 =	sld [smem:$0x3FC9]  }
0x92: {  	s5 =	simm.s32 $0xA;
	s6 =	simm.s32 $0x10;
	s4 =	sld [smem:$0x3FC8]  }
0x93: {  	[smem:s6], [sflag:s5] =	dma.local [hbm:s2], $0x1  }
0x94: {  	_ =	swait.eq [sflag:s5], $0x1  }
0x95: {  	[sflag:s5] =	ssyncset.done $0x0  }
0x96: {  	[sflag:s5] =	ssyncadd.s32 $0xFFFFFFFF  }
0x97: {  	s16 =	sld [smem:$0x10];
	(tm) =	ssettm $0x1  }
0x98: {  	s17 =	sld [smem:$0x3FFB];
	_ =	sdelay $0x3  }
0x99: {  	_ =	strace s17  }
0x9a: {  	s5 =	sld [smem:$0x3FFC];
	_ =	sdelay $0x3  }
0x9b: {  	_ =	strace s5  }
0x9c: {  	s5 =	sld [smem:$0x3FFD];
	_ =	sdelay $0x3  }
0x9d: {  	_ =	strace s5  }
0x9e: {  	_ =	strace $0x8FFFFFFF  }
0x9f: {  	s18 =	sld [smem:$0x3FDB];
	_ =	sdelay $0x1  }
0xa0: {  	s19 =	simm.s32 $_scs_section_size  }
0xa1: {  	s7 =	simm.s32 $_size__tile_overlayer_lowered;
	s8 =	simm.s32 $_tile_overlayer_lowered  }
0xa2: {  	s22 =	simm.s32 $0x1BFF;
	s21 =	sshll.u32 s8, $0x1;
	s5 =	sadd.s32 s19, s18  }
0xa3: {  	s9 =	simm.s32 $0x0;
	s20 =	sshll.u32 s7, $0x1;
	s7 =	sadd.s32 s21, s5  }
0xa4: {  	[timem:s9], [sflag:s22] =	dma.local [hbm:s7], s20  }
0xa5: {  	_ =	swait.ge [sflag:s22], s20  }
0xa6: {  	s6 =	ssub.s32 $0x0, s20;
	[sflag:s22] =	ssyncset.done $0x0  }
0xa7: {  	[sflag:s22] =	ssyncadd.s32 s6;
	_ =	sdelay $0x1  }
0xa8: {  	s23 =	simm.s32 $0x1B8B  }
0xa9: {  	_ =	swait.ge [sflag:s23], $0x1  }
0xaa: {  	[sflag:s23] =	ssyncset.done $0x0  }
0xab: {  	s25 =	simm.s32 $0x1B8E;
	s24 =	sld [smem:$0x3FFE];
	[sflag:s23] =	ssyncadd.s32 $0xFFFFFFFF  }
0xac: {  	s26 =	simm.s32 $execute0_lowered;
	[smem:$0x3FD2] =	sst s25  }
0xad: {  	s7 =	sshll.u32 s26, $0x1;
	_ =	strace $0x80000046;
	[dreg:$0x1] =	wrdreg $0xFFFFFFFF  }
0xae: {  	s28 =	simm.s32 $_size_execute0_lowered;
	s5 =	sadd.s32 s5, s7;
	[dreg:$0x0] =	wrdreg $0x0  }
0xaf: {  	s7 =	sshll.u32 s28, $0x1;
	[dreg:$0x2] =	wrdreg s5  }
0xb0: {  	[dreg:$0x3] =	wrdreg s7  }
0xb1: {  	[dreg:$0x4] =	wrdreg $0xC0  }
0xb2: {  	_ =	task [dreg:s9], $0x5FFFF  }
0xb3: {  	[dreg:$0x1] =	wrdreg $0xFFFFFFFF  }
0xb4: {  	[dreg:$0x0] =	wrdreg $0x60  }
0xb5: {  	[dreg:$0x2] =	wrdreg s15  }
0xb6: {  	[dreg:$0x3] =	wrdreg s4  }
0xb7: {  	[dreg:$0x4] =	wrdreg s16  }
0xb8: {  	[dreg:$0x5] =	wrdreg s24  }
0xb9: {  	[dreg:$0x6] =	wrdreg $0x92800  }
0xba: {  	[dreg:$0x7] =	wrdreg $0xA2800  }
0xbb: {  	[dreg:$0x8] =	wrdreg $0x9  }
0xbc: {  	_ =	task.clear_ibuf [dreg:s9], $0x9FFFF;
	_ =	strace $0x90000046  }
0xbd: {  	s29 =	simm.s32 $0x9;
	_ =	strace $0x80000048  }
0xbe: {  	_ =	swait.ge [sflag:s29], $0x1  }
0xbf: {  	[sflag:s29] =	ssyncadd.s32 $0xFFFFFFFF  }
0xc0: {  	_ =	strace $0x90000048  }
0xc1: {  	_ =	sfence  }
0xc2: {  	s30 =	sld [smem:$0x0];
	_ =	sdelay $0x2  }
0xc3: {  	s31 =	sshll.u32 s1, $0xD;
	s1 =	sshrl.u32 s1, $0x2  }
0xc4: {  	s3 =	sand.u32 $0x4000, s31;
	s1 =	sadd.s32 s1, s30  }
0xc5: {  	s0 =	sor.u32 s3, s0;
	s1 =	sshll.u32 s1, $0x11  }
0xc6: {  	s0 =	sor.u32 s1, s0  }
0xc7: {  	s0 =	sadd.s32 $0x8F2B, s0  }
0xc8: {  	[sflag:s0] =	ssyncadd.remote.s32 $0x1  }
0xc9: {  	_ =	sfence.sel $0xFFFF  }
0xca: {  	[dreg:$0x0] =	wrdreg $0xFFFFFFFF;
	(pc) =	sbr.abs _section_cstart, $3  }
0xcb: {  	[dreg:$0x1] =	wrdreg $0xFFFFFFFF  }
0xcc: {  	_ =	task.clear_ibuf [dreg:s9], $0x2FFFF;
	_ =	strace $0x9FFFFFFF  }
0xcd: {  	(tm) =	ssettm $0x7FFFFFFF  }
tec
execute0_lowered:
.L_overlay_start_1:
0x0: {  	(tag) =	ssettag $0x1  }
0x1: {  	s0 =	rddreg [dreg:$0x0]  }
0x2: {  	s1 =	rddreg [dreg:$0x1]  }
0x3: {  	s4 =	rddreg [dreg:$0x2]  }
0x4: {  	s6 =	rddreg [dreg:$0x3]  }
0x5: {  	s2 =	rddreg [dreg:$0x4]  }
0x6: {  	s3 =	rddreg [dreg:$0x5];
	s5 =	simm.s32 $0x0  }
0x7: {  	s7 =	srdreg.scid;
	s26 =	stileid.u32;
	s28 =	simm.s32 $0x8000  }
0x8: {  	s30 =	simm.s32 $0x9;
	[smem:$0x7FF] =	sst s5;
	s7 =	sand.u32 $0x1, s7  }
0x9: {  	s8 =	sshll.u32 s26, $0x5;
	s19 =	sshll.u32 s26, $0xC;
	_ =	strace $0x80000047  }
0xa: {  	s9 =	sshll.u32 s7, $0x9;
	s10 =	sshll.u32 s7, $0x4;
	s25 =	ssub.s32 $0x2, s7  }
0xb: {  	s11 =	sor.u32 s8, s9;
	s12 =	sor.u32 s26, s10;
	s13 =	sshrl.u32 s25, $0x1  }
0xc: {  	s9 =	sadd.s32 s19, s2;
	s10 =	sadd.s32 s8, s3;
	s19 =	sadd.s32 $0x186800, s0  }
0xd: {  	s16 =	sshrl.u32 s11, $0x3;
	s14 =	ssub.s32 $0x32C, s12;
	s13 =	ssub.s32 s25, s13  }
0xe: {  	s17 =	sshll.u32 s12, $0xB;
	s18 =	sshll.u32 s12, $0x4;
	s22 =	sshll.u32 s12, $0x7  }
0xf: {  	s11 =	sshll.u32 s11, $0x4;
	p0 =	sne.s32 s12, $0x1F;
	s12 =	simm.s32 $0x0  }
0x10: {  	s15 =	sadd.s32 s16, s6;
	s6 =	sshrl.u32 s14, $0x5;
	s31 =	sadd.s32 s0, s17  }
0x11: {  	s29 =	sadd.s32 s1, s18;
	s14 =	sadd.s32 $0x30D0, s1;
	s16 =	sadd.s32 s4, s11  }
0x12: {  	s17 =	smax.u32 s13, $0x1;
	s24 =	sor.u32 $0x1000, s22;
	s8 =	sor.u32 $0x2000, s22  }
0x13: {  	s18 =	sshll.u32 s7, $0xF;
	s7 =	sshll.u32 s7, $0xB;
	s22 =	sshll.u32 s26, $0x7  }
0x14: {  	s20 =	sadd.s32 $0xFFFFFFFF, s6;
	s21 =	sand.u32 $0x1, s6;
	s15 =	sadd.s32 $0x1200, s15  }
0x15: {  	s23 =	sadd.s32 $0x1, s6;
	s25 =	sshll.u32 s24, $0x4;
	[dreg:$0x8] =	wrdreg s14  }
0x16: {  	s11 =	sshrl.u32 s24, $0x3;
	s13 =	sshll.u32 s8, $0x4;
	[dreg:$0x9] =	wrdreg s16  }
0x17: {  	s8 =	sshrl.u32 s8, $0x3;
	s7 =	sor.u32 s22, s7;
	[dreg:$0xb] =	wrdreg s17  }
0x18: {  	s22 =	simm.s32 $0x7;
	[dreg:$0x7] =	wrdreg s20;
	p1 =	seq.s32 s21, $0x1  }
0x19: {  	s4 =	sshrl.u32 s23, $0x1;
	s20 =	sadd.s32 s0, s25;
	s24 =	sadd.s32 s1, s11  }
0x1a: {  	s25 =	sadd.s32 s0, s13;
	s8 =	sadd.s32 s1, s8;
	[dreg:$0xa] =	wrdreg s15  }
0x1b: {  	s0 =	sadd.s32 s18, s0;
	s23 =	sor.u32 $0x4000, s7;
	[dreg:$0xf] =	wrdreg s8  }
0x1c: {  	s21 =	sshll.u32 s26, $0xB;
	s13 =	simm.s32 $0x9200;
	[dreg:$0x11] =	wrdreg s23  }
.Ltmp0:
0x1d: {  	s11 =	simm.s32 $0x2;
	[dreg:$0xc] =	wrdreg s20;
	(pc) =	sbr.rel .LBB2_1-.Ltmp0, $4  }
0x1e: {  	s0 =	sadd.s32 s21, s0;
	s21 =	simm.s32 $0x5;
	[dreg:$0xd] =	wrdreg s24  }
0x1f: {  	s22 =	simm.s32 @!p1 $0x8;
	s8 =	simm.s32 $0x7;
	[dreg:$0xe] =	wrdreg s25  }
0x20: {  	s21 =	simm.s32 @!p1 $0x6;
	p1 =	seq.s32 s4, $0x1;
	s4 =	ssub.s32 $0x1, s4  }
0x21: {  	v0 =	vimm.f32 $0.0e+00;
	v1 =	vimm.f32 $1.000000000e+00;
	s23 =	simm.s32 $0x80;
	s18 =	sadd.s32 $0x40000, s0;
	[dreg:$0x10] =	wrdreg s4  }
.LBB2_5:
0x22: {  	s24 =	smov.u32 s18;
	s25 =	rddreg [dreg:$0x11]  }
.LBB2_10:
0x23: {  	p4 =	por p5, !p3  }
0x24: {  	[sflag:s7] =	ssyncset.done @!p4 $0x0  }
0x25: {  	[sflag:s7] =	ssyncadd.s32 @!p4 $0xFFFFC000  }
0x26: {  	p5 =	por @p3 p6, p5;
	_ =	swait.ge @!p4 [sflag:s4], $0x80  }
0x27: {  	p5 =	por p5, !p3;
	[sflag:s4] =	ssyncset.done @!p4 $0x0  }
0x28: {  	s0 =	simm.s32 @!p5 $0x0;
	s7 =	sshrl.u32 @!p5 s14, $0x3;
	[sflag:s4] =	ssyncadd.s32 @!p4 $0xFFFFFF80  }
0x29: {  	[tilespmem:s0], [sflag:$0x1] =	stream.linear.gather @!p5 [hbm4b:s16+s0], $0x4000, $0x38;
	[tilespmem:$0xA2A0] =	vst v63  }
0x2a: {  	s14 =	simm.s32 @!p2 $0x1;
	s4 =	sadd.s32 @!p5 s1, s7;
	s7 =	simm.s32 @!p5 $0x8000  }
0x2b: {  	[tilespmem:s7], [sflag:$0x3] =	stream.linear.gather @!p5 [hbm4b:s4+s0], $0x80, $0x38;
	[tilespmem:$0xA2A0] =	vst v63  }
0x2c: {  	_ =	swait.ge @!p2 [sflag:s14], $0x4000  }
0x2d: {  	[sflag:s14] =	ssyncset.done @!p2 $0x0  }
0x2e: {  	s0 =	simm.s32 @!p2 $0x3;
	[sflag:s14] =	ssyncadd.s32 @!p2 $0xFFFFC000  }
0x2f: {  	_ =	swait.ge @!p2 [sflag:s0], $0x80  }
0x30: {  	s4 =	simm.s32 @!p2 $0x0;
	[sflag:s0] =	ssyncset.done @!p2 $0x0  }
0x31: {  	s7 =	simm.s32 @!p2 $0x80;
	s14 =	simm.s32 @!p2 $0x8000;
	[sflag:s0] =	ssyncadd.s32 @!p2 $0xFFFFFF80  }
0x32: {  	[spmem:s2] =	stream.indirect.scatter.add.f32 @!p2 [tilespmem:s4], [sflag:$0x5], $0x80, s14, s7, $0xb8;
	[tilespmem:$0xA2A0] =	vst v63  }
0x33: {  	s0 =	simm.s32 @!p2 $0x9180  }
0x34: {  	[spmem:s3] =	stream.indirect.scatter.add.f32 @!p2 [tilespmem:s0], [sflag:$0x7], $0x1, s14, s7, $0xb8;
	[tilespmem:$0xA2A0] =	vst v63  }
0x35: {  	s4 =	simm.s32 @!p2 $0x6;
	s0 =	sadd.s32 @p3 $0x20000, s24  }
0x36: {  	s7 =	smov.u32 s18;
	s14 =	sadd.s32 @!p2 $0xFFFFFFFF, s13;
	_ =	swait.ge @!p2 [sflag:s4], $0x4000  }
0x37: {  	s7 =	smov.u32 @p3 s0;
	p3 =	sge.u32 @!p2 s14, s6;
	[sflag:s4] =	ssyncset.done @!p2 $0x0  }
0x38: {  	s0 =	simm.s32 @!p2 $0x8;
	p3 =	por p3, p2;
	[sflag:s4] =	ssyncadd.s32 @!p2 $0xFFFFC000  }
0x39: {  	s4 =	sadd.s32 @!p3 $0xFFFFF000, s25;
	s14 =	sadd.s32 @!p3 $0xFFFF0000, s7;
	_ =	swait.ge @!p2 [sflag:s0], $0x80  }
0x3a: {  	s16 =	simm.s32 @!p3 $0x0;
	s20 =	simm.s32 @!p3 $0x4000;
	[sflag:s0] =	ssyncset.done @!p2 $0x0  }
0x3b: {  	s4 =	sshrl.u32 @!p3 s4, $0x3;
	s17 =	rddreg [dreg:$0x7];
	[sflag:s0] =	ssyncadd.s32 @!p2 $0xFFFFFF80  }
0x3c: {  	[tilespmem:s20], [sflag:$0x2] =	stream.linear.gather @!p3 [hbm4b:s14+s16], $0x4000, $0x38;
	[tilespmem:$0xA2A0] =	vst v63  }
0x3d: {  	s0 =	sadd.s32 @!p3 s1, s4;
	s4 =	simm.s32 @!p3 $0x8080;
	p2 =	sge.u32 s15, s17  }
0x3e: {  	[tilespmem:s4], [sflag:$0x4] =	stream.linear.gather @!p3 [hbm4b:s0+s16], $0x80, $0x38;
	[tilespmem:$0xA2A0] =	vst v63  }
0x3f: {  	s0 =	simm.s32 @!p2 $0x2  }
0x40: {  	_ =	swait.ge @!p2 [sflag:s0], $0x4000  }
0x41: {  	[sflag:s0] =	ssyncset.done @!p2 $0x0  }
0x42: {  	s4 =	simm.s32 @!p2 $0x4;
	[sflag:s0] =	ssyncadd.s32 @!p2 $0xFFFFC000  }
0x43: {  	_ =	swait.ge @!p2 [sflag:s4], $0x80  }
0x44: {  	s14 =	simm.s32 @!p2 $0x80;
	[sflag:s4] =	ssyncset.done @!p2 $0x0  }
0x45: {  	s15 =	simm.s32 @!p2 $0x8080;
	s0 =	simm.s32 @!p2 $0x4000;
	[sflag:s4] =	ssyncadd.s32 @!p2 $0xFFFFFF80  }
0x46: {  	[spmem:s2] =	stream.indirect.scatter.add.f32 @!p2 [tilespmem:s0], [sflag:$0x6], $0x80, s15, s14, $0xb8;
	[tilespmem:$0xA2A0] =	vst v63  }
0x47: {  	s4 =	simm.s32 @!p2 $0x5;
	s0 =	simm.s32 @!p2 $0x9180  }
0x48: {  	[spmem:s3] =	stream.indirect.scatter.add.f32 @!p2 [tilespmem:s0], [sflag:$0x8], $0x1, s15, s14, $0xb8;
	[tilespmem:$0xA2A0] =	vst v63  }
0x49: {  	_ =	swait.ge @!p2 [sflag:s4], $0x4000  }
0x4a: {  	[sflag:s4] =	ssyncset.done @!p2 $0x0  }
0x4b: {  	s0 =	simm.s32 @!p2 $0x7;
	[sflag:s4] =	ssyncadd.s32 @!p2 $0xFFFFC000  }
0x4c: {  	_ =	swait.ge @!p2 [sflag:s0], $0x80  }
0x4d: {  	s14 =	rddreg [dreg:$0x8]  }
0x4e: {  	s16 =	rddreg [dreg:$0x9]  }
0x4f: {  	p3 =	sge.u32 @!p2 s13, s6;
	s15 =	rddreg [dreg:$0xa]  }
0x50: {  	p3 =	por p3, p2;
	s17 =	rddreg [dreg:$0xb]  }
0x51: {  	s13 =	sshrl.u32 @!p3 s25, $0x3;
	[sflag:s0] =	ssyncset.done @!p2 $0x0;
	s20 =	rddreg [dreg:$0xc]  }
0x52: {  	s4 =	simm.s32 @!p3 $0x0;
	s24 =	rddreg [dreg:$0xd];
	[sflag:s0] =	ssyncadd.s32 @!p2 $0xFFFFFF80  }
0x53: {  	[tilespmem:s4], [sflag:$0x1] =	stream.linear.gather @!p3 [hbm4b:s7+s4], $0x4000, $0x38;
	[tilespmem:$0xA2A0] =	vst v63  }
0x54: {  	s25 =	rddreg [dreg:$0xe];
	s0 =	sadd.s32 @!p3 s1, s13;
	s7 =	simm.s32 @!p3 $0x8000  }
0x55: {  	[tilespmem:s7], [sflag:$0x3] =	stream.linear.gather @!p3 [hbm4b:s0+s4], $0x80, $0x38;
	[tilespmem:$0xA2A0] =	vst v63  }
.LBB2_11:
0x56: {  	_ =	swait.ge [sflag:s21], $0x4000  }
0x57: {  	[sflag:s21] =	ssyncset.done $0x0  }
0x58: {  	[sflag:s21] =	ssyncadd.s32 $0xFFFFC000  }
0x59: {  	_ =	swait.ge [sflag:s22], $0x80  }
0x5a: {  	[sflag:s22] =	ssyncset.done $0x0  }
0x5b: {  	s0 =	simm.s32 @!p0 $0x0;
	s4 =	simm.s32 @!p0 $0x9;
	[sflag:s22] =	ssyncadd.s32 $0xFFFFFF80  }
0x5c: {  	[tilespmem:s0], [sflag:$0x9] =	stream.linear.gather @!p0 [hbm4b:s19+s0], $0x1000, $0x38;
	[tilespmem:$0xA2A0] =	vst v63  }
0x5d: {  	_ =	swait.ge @!p0 [sflag:s4], $0x1000  }
0x5e: {  	[sflag:s4] =	ssyncset.done @!p0 $0x0  }
0x5f: {  	s7 =	simm.s32 @!p0 $0x8100;
	[sflag:s4] =	ssyncadd.s32 @!p0 $0xFFFFF000  }
0x60: {  	[tilespmem:s7], [sflag:$0x9] =	stream.linear.gather @!p0 [hbm4b:s14+s0], $0x20, $0x38;
	[tilespmem:$0xA2A0] =	vst v63  }
0x61: {  	_ =	swait.ge @!p0 [sflag:s4], $0x20  }
0x62: {  	[sflag:s4] =	ssyncset.done @!p0 $0x0  }
0x63: {  	s13 =	simm.s32 @!p0 $0x20;
	[sflag:s4] =	ssyncadd.s32 @!p0 $0xFFFFFFE0  }
0x64: {  	[spmem:s2] =	stream.indirect.scatter.add.f32 @!p0 [tilespmem:s0], [sflag:$0x9], $0x80, s7, s13, $0xb8;
	[tilespmem:$0xA2A0] =	vst v63  }
0x65: {  	_ =	swait.ge @!p0 [sflag:s4], $0x1000  }
0x66: {  	[sflag:s4] =	ssyncset.done @!p0 $0x0  }
0x67: {  	s0 =	simm.s32 @!p0 $0x9180;
	[sflag:s4] =	ssyncadd.s32 @!p0 $0xFFFFF000  }
0x68: {  	[spmem:s3] =	stream.indirect.scatter.add.f32 @!p0 [tilespmem:s0], [sflag:$0x9], $0x1, s7, s13, $0xb8;
	[tilespmem:$0xA2A0] =	vst v63  }
0x69: {  	_ =	swait.ge @!p0 [sflag:s4], $0x20  }
0x6a: {  	[sflag:s4] =	ssyncset.done @!p0 $0x0  }
0x6b: {  	s7 =	sshll.u32 s26, $0x6;
	[sflag:s4] =	ssyncadd.s32 @!p0 $0xFFFFFFE0  }
0x6c: {  	s13 =	sshrl.u32 s9, $0x3;
	s0 =	sor.u32 $0x1C09, s7;
	[bflag:$0x0] =	sbarrier.arrive $0xFFFF  }
0x6d: {  	[hbm:s16], [sflag:s0] =	dma.local [spmem:s13], $0x200  }
0x6e: {  	_ =	swait.ge [sflag:s30], $0x200  }
0x6f: {  	[sflag:s30] =	ssyncset.done $0x0  }
0x70: {  	s13 =	simm.s32 $0x9200;
	[sflag:s30] =	ssyncadd.s32 $0xFFFFFE00  }
0x71: {  	[tilespmem:s13], [sflag:$0x9] =	stream.linear.gather [spmem:s10], $0x20, $0x38;
	[tilespmem:$0xA2A0] =	vst v63  }
0x72: {  	s12 =	sadd.s32 $0x1, s12;
	_ =	swait.ge [sflag:s30], $0x20  }
0x73: {  	p2 =	sne.s32 s12, s17;
	[sflag:s30] =	ssyncset.done $0x0  }
.Ltmp1:
0x74: {  	[sflag:s30] =	ssyncadd.s32 $0xFFFFFFE0;
	(pc) =	sbr.rel @!p2 .LBB2_12-.Ltmp1, $4  }
0x75: {  	[hbm4b:s15+s5] =	stream.linear.scatter [tilespmem:s13], [sflag:$0x9], $0x20, $0x38;
	[tilespmem:$0xA2A0] =	vst v63  }
0x76: {  	_ =	swait.ge [sflag:s30], $0x20  }
0x77: {  	[sflag:s30] =	ssyncset.done $0x0  }
0x78: {  	[sflag:s30] =	ssyncadd.s32 $0xFFFFFFE0  }
.LBB2_1:
0x79: {  	[tilespmem:s5], [sflag:$0x1] =	stream.linear.gather [hbm4b:s31+s5], $0x4000, $0x38;
	[tilespmem:$0xA2A0] =	vst v63  }
0x7a: {  	s4 =	simm.s32 $0x0;
	s7 =	simm.s32 $0x200  }
0x7b: {  	[tilespmem:s28], [sflag:$0x3] =	stream.linear.gather [hbm4b:s29+s5], $0x80, $0x38;
	[tilespmem:$0xA2A0] =	vst v63  }
.LBB2_2:
0x7c: {  	p2 =	sne.s32 s7, $0x3E00;
	[tilespmem:s4+$0x81F0] =	vst v0  }
0x7d: {  	[tilespmem:s4+$0x8180] =	vst v0  }
0x7e: {  	[tilespmem:s4+$0x8190] =	vst v0  }
.Ltmp2:
0x7f: {  	[tilespmem:s4+$0x81A0] =	vst v0;
	(pc) =	sbr.rel @p2 .LBB2_2-.Ltmp2, $4  }
0x80: {  	[tilespmem:s4+$0x81B0] =	vst v0  }
0x81: {  	[tilespmem:s4+$0x81C0] =	vst v0  }
0x82: {  	[tilespmem:s4+$0x81D0] =	vst v0  }
0x83: {  	[tilespmem:s4+$0x81E0] =	vst v0;
	s4 =	sshra.s32 s7, $0x2;
	s7 =	sadd.s32 $0x200, s7  }
0x84: {  	[tilespmem:s4+$0x81F0] =	vst v0  }
0x85: {  	[tilespmem:s4+$0x8180] =	vst v0  }
0x86: {  	[tilespmem:s4+$0x8190] =	vst v0  }
0x87: {  	[tilespmem:s4+$0x81A0] =	vst v0  }
0x88: {  	[tilespmem:s4+$0x81B0] =	vst v0  }
0x89: {  	[tilespmem:s4+$0x81C0] =	vst v0  }
0x8a: {  	[tilespmem:s4+$0x81D0] =	vst v0  }
0x8b: {  	[tilespmem:s4+$0x81E0] =	vst v0  }
0x8c: {  	[tilespmem:$0x9180] =	vst v1  }
0x8d: {  	[tilespmem:$0x9190] =	vst v1  }
0x8e: {  	[tilespmem:$0x91A0] =	vst v1  }
0x8f: {  	[tilespmem:$0x91B0] =	vst v1  }
0x90: {  	[tilespmem:$0x91C0] =	vst v1  }
0x91: {  	[tilespmem:$0x91D0] =	vst v1  }
0x92: {  	[tilespmem:$0x91E0] =	vst v1  }
0x93: {  	[tilespmem:$0x91F0] =	vst v1  }
0x94: {  	[tilespmem:$0x9200] =	vst v0  }
0x95: {  	s0 =	simm.s32 $0x8180;
	[tilespmem:$0x9210] =	vst v0  }
0x96: {  	[spmem:s9] =	stream.linear.scatter [tilespmem:s0], [sflag:$0x9], $0x1000, $0x38;
	[tilespmem:$0xA2A0] =	vst v63  }
0x97: {  	_ =	swait.ge [sflag:s30], $0x1000  }
0x98: {  	[sflag:s30] =	ssyncset.done $0x0  }
0x99: {  	[sflag:s30] =	ssyncadd.s32 $0xFFFFF000  }
0x9a: {  	[spmem:s10] =	stream.linear.scatter [tilespmem:s13], [sflag:$0x9], $0x20, $0x38;
	[tilespmem:$0xA2A0] =	vst v63  }
0x9b: {  	_ =	swait.ge [sflag:s30], $0x20  }
0x9c: {  	[sflag:s30] =	ssyncset.done $0x0  }
0x9d: {  	[sflag:s30] =	ssyncadd.s32 $0xFFFFFFE0  }
0x9e: {  	s7 =	simm.s32 $0x1;
	[bflag:$0x0] =	sbarrier.arrive $0xFFFF  }
0x9f: {  	_ =	swait.ge [sflag:s7], $0x4000  }
0xa0: {  	[sflag:s7] =	ssyncset.done $0x0  }
0xa1: {  	s13 =	simm.s32 $0x3;
	[sflag:s7] =	ssyncadd.s32 $0xFFFFC000  }
0xa2: {  	_ =	swait.ge [sflag:s13], $0x80  }
0xa3: {  	[sflag:s13] =	ssyncset.done $0x0  }
0xa4: {  	[sflag:s13] =	ssyncadd.s32 $0xFFFFFF80  }
0xa5: {  	[spmem:s2] =	stream.indirect.scatter.add.f32 [tilespmem:s5], [sflag:$0x5], $0x80, s28, s23, $0xb8;
	[tilespmem:$0xA2A0] =	vst v63  }
0xa6: {  	s0 =	simm.s32 $0x9180  }
0xa7: {  	[spmem:s3] =	stream.indirect.scatter.add.f32 [tilespmem:s0], [sflag:$0x7], $0x1, s28, s23, $0xb8;
	[tilespmem:$0xA2A0] =	vst v63  }
0xa8: {  	s4 =	simm.s32 $0x4000  }
0xa9: {  	[tilespmem:s4], [sflag:$0x2] =	stream.linear.gather [hbm4b:s20+s5], $0x4000, $0x38;
	[tilespmem:$0xA2A0] =	vst v63  }
0xaa: {  	s7 =	simm.s32 $0x8080  }
0xab: {  	[tilespmem:s7], [sflag:$0x4] =	stream.linear.gather [hbm4b:s24+s5], $0x80, $0x38;
	[tilespmem:$0xA2A0] =	vst v63  }
0xac: {  	_ =	swait.ge [sflag:s11], $0x4000  }
0xad: {  	[sflag:s11] =	ssyncset.done $0x0  }
0xae: {  	s13 =	simm.s32 $0x4;
	[sflag:s11] =	ssyncadd.s32 $0xFFFFC000  }
0xaf: {  	_ =	swait.ge [sflag:s13], $0x80  }
0xb0: {  	[sflag:s13] =	ssyncset.done $0x0  }
0xb1: {  	[sflag:s13] =	ssyncadd.s32 $0xFFFFFF80  }
0xb2: {  	[spmem:s2] =	stream.indirect.scatter.add.f32 [tilespmem:s4], [sflag:$0x6], $0x80, s7, s23, $0xb8;
	[tilespmem:$0xA2A0] =	vst v63  }
0xb3: {  	s4 =	simm.s32 $0x5  }
0xb4: {  	[spmem:s3] =	stream.indirect.scatter.add.f32 [tilespmem:s0], [sflag:$0x8], $0x1, s7, s23, $0xb8;
	[tilespmem:$0xA2A0] =	vst v63  }
0xb5: {  	_ =	swait.ge [sflag:s4], $0x4000  }
0xb6: {  	[sflag:s4] =	ssyncset.done $0x0  }
0xb7: {  	[sflag:s4] =	ssyncadd.s32 $0xFFFFC000  }
0xb8: {  	_ =	swait.ge [sflag:s8], $0x80  }
.Ltmp3:
0xb9: {  	[sflag:s8] =	ssyncset.done $0x0;
	(pc) =	sbr.rel @p1 .LBB2_11-.Ltmp3, $4  }
0xba: {  	[sflag:s8] =	ssyncadd.s32 $0xFFFFFF80  }
0xbb: {  	[tilespmem:s5], [sflag:$0x1] =	stream.linear.gather [hbm4b:s25+s5], $0x4000, $0x38;
	[tilespmem:$0xA2A0] =	vst v63  }
0xbc: {  	s7 =	rddreg [dreg:$0xf]  }
0xbd: {  	[tilespmem:s28], [sflag:$0x3] =	stream.linear.gather [hbm4b:s7+s5], $0x80, $0x38;
	[tilespmem:$0xA2A0] =	vst v63  }
0xbe: {  	s0 =	rddreg [dreg:$0x10]  }
0xbf: {  	s4 =	sadd.s32 $0x1, s0  }
0xc0: {  	p4 =	seq.s32 s4, $0x0  }
.Ltmp4:
0xc1: {  	_ = 	snop;
	(pc) =	sbr.rel @p4 .LBB2_5-.Ltmp4, $2  }
0xc2: {  	_ =	sdelay $0x2  }
0xc3: {  	s15 =	simm.s32 $0x2;
	p2 =	sle.u32 s6, $0x2;
	p3 =	por $0x0, $0x0  }
0xc4: {  	s7 =	simm.s32 @!p2 $0x1  }
0xc5: {  	_ =	swait.ge @!p2 [sflag:s7], $0x4000  }
0xc6: {  	[sflag:s7] =	ssyncset.done @!p2 $0x0  }
0xc7: {  	[sflag:s7] =	ssyncadd.s32 @!p2 $0xFFFFC000;
	s7 =	simm.s32 @!p2 $0x3  }
0xc8: {  	_ =	swait.ge @!p2 [sflag:s7], $0x80  }
0xc9: {  	s13 =	simm.s32 @!p2 $0x0;
	[sflag:s7] =	ssyncset.done @!p2 $0x0  }
0xca: {  	s14 =	simm.s32 @!p2 $0x80;
	s15 =	simm.s32 @!p2 $0x8000;
	[sflag:s7] =	ssyncadd.s32 @!p2 $0xFFFFFF80  }
0xcb: {  	[spmem:s2] =	stream.indirect.scatter.add.f32 @!p2 [tilespmem:s13], [sflag:$0x5], $0x80, s15, s14, $0xb8;
	[tilespmem:$0xA2A0] =	vst v63  }
0xcc: {  	s7 =	simm.s32 @!p2 $0x9180;
	s13 =	simm.s32 @!p2 $0x6  }
0xcd: {  	[spmem:s3] =	stream.indirect.scatter.add.f32 @!p2 [tilespmem:s7], [sflag:$0x7], $0x1, s15, s14, $0xb8;
	[tilespmem:$0xA2A0] =	vst v63  }
0xce: {  	p3 =	sle.u32 @!p2 s6, $0x3;
	_ =	swait.ge @!p2 [sflag:s13], $0x4000  }
0xcf: {  	p3 =	por p3, p2;
	[sflag:s13] =	ssyncset.done @!p2 $0x0  }
0xd0: {  	s17 =	simm.s32 @!p3 $0x4000;
	s7 =	simm.s32 @!p2 $0x8;
	[sflag:s13] =	ssyncadd.s32 @!p2 $0xFFFFC000  }
0xd1: {  	s14 =	sadd.s32 @!p3 $0xFFFF0000, s18;
	s0 =	rddreg [dreg:$0x11];
	_ =	swait.ge @!p2 [sflag:s7], $0x80  }
0xd2: {  	s15 =	simm.s32 @!p3 $0x0;
	s13 =	sadd.s32 @!p3 $0xFFFFF000, s0;
	[sflag:s7] =	ssyncset.done @!p2 $0x0  }
0xd3: {  	s13 =	sshrl.u32 @!p3 s13, $0x3;
	s16 =	rddreg [dreg:$0x7];
	[sflag:s7] =	ssyncadd.s32 @!p2 $0xFFFFFF80  }
0xd4: {  	[tilespmem:s17], [sflag:$0x2] =	stream.linear.gather @!p3 [hbm4b:s14+s15], $0x4000, $0x38;
	[tilespmem:$0xA2A0] =	vst v63  }
0xd5: {  	s7 =	sadd.s32 @!p3 s1, s13;
	s13 =	simm.s32 @!p3 $0x8080;
	p5 =	sle.u32 s16, $0x2  }
0xd6: {  	[tilespmem:s13], [sflag:$0x4] =	stream.linear.gather @!p3 [hbm4b:s7+s15], $0x80, $0x38;
	[tilespmem:$0xA2A0] =	vst v63  }
0xd7: {  	s7 =	simm.s32 @!p5 $0x2  }
0xd8: {  	s8 =	smov.u32 s19;
	_ =	swait.ge @!p5 [sflag:s7], $0x4000  }
0xd9: {  	s19 =	smov.u32 s29;
	s29 =	smov.u32 s31;
	[sflag:s7] =	ssyncset.done @!p5 $0x0  }
0xda: {  	s24 =	smov.u32 s18;
	s13 =	simm.s32 @!p5 $0x4;
	[sflag:s7] =	ssyncadd.s32 @!p5 $0xFFFFC000  }
0xdb: {  	s25 =	sadd.s32 $0x2000, s0;
	s17 =	sadd.s32 $0x1, s4;
	_ =	swait.ge @!p5 [sflag:s13], $0x80  }
0xdc: {  	s14 =	simm.s32 @!p5 $0x80;
	p4 =	seq.s32 s17, $0x0;
	[sflag:s13] =	ssyncset.done @!p5 $0x0  }
0xdd: {  	s15 =	simm.s32 @!p5 $0x8080;
	s7 =	simm.s32 @!p5 $0x4000;
	[sflag:s13] =	ssyncadd.s32 @!p5 $0xFFFFFF80  }
0xde: {  	[spmem:s2] =	stream.indirect.scatter.add.f32 @!p5 [tilespmem:s7], [sflag:$0x6], $0x80, s15, s14, $0xb8;
	[tilespmem:$0xA2A0] =	vst v63  }
.Ltmp5:
0xdf: {  	p2 =	sle.u32 s6, $0x4;
	s16 =	smov.u32 s18;
	(pc) =	sbr.rel @p4 .LBB2_7-.Ltmp5, $4  }
0xe0: {  	s4 =	simm.s32 @!p5 $0x7;
	p6 =	sle.u32 @!p5 s6, $0x4;
	s7 =	simm.s32 @!p5 $0x9180  }
0xe1: {  	[spmem:s3] =	stream.indirect.scatter.add.f32 @!p5 [tilespmem:s7], [sflag:$0x8], $0x1, s15, s14, $0xb8;
	[tilespmem:$0xA2A0] =	vst v63  }
0xe2: {  	p3 =	por $0x1, $0x1;
	s13 =	simm.s32 $0x6;
	s7 =	simm.s32 @!p5 $0x5  }
0xe3: {  	s15 =	simm.s32 $0x4;
	s14 =	smov.u32 s0;
	_ =	swait.ge @!p5 [sflag:s7], $0x4000  }
.LBB2_8:
0xe4: {  	[sflag:s7] =	ssyncset.done @!p5 $0x0  }
0xe5: {  	[sflag:s7] =	ssyncadd.s32 @!p5 $0xFFFFC000  }
0xe6: {  	_ =	swait.ge @!p5 [sflag:s4], $0x80  }
0xe7: {  	p6 =	por p6, p5;
	[sflag:s4] =	ssyncset.done @!p5 $0x0  }
0xe8: {  	s7 =	simm.s32 @!p6 $0x0;
	s14 =	sshrl.u32 @!p6 s14, $0x3;
	[sflag:s4] =	ssyncadd.s32 @!p5 $0xFFFFFF80  }
0xe9: {  	[tilespmem:s7], [sflag:$0x1] =	stream.linear.gather @!p6 [hbm4b:s16+s7], $0x4000, $0x38;
	[tilespmem:$0xA2A0] =	vst v63  }
0xea: {  	s26 =	simm.s32 @!p2 $0x1;
	s20 =	simm.s32 @!p6 $0x8000;
	s4 =	sadd.s32 @!p6 s1, s14  }
0xeb: {  	[tilespmem:s20], [sflag:$0x3] =	stream.linear.gather @!p6 [hbm4b:s4+s7], $0x80, $0x38;
	[tilespmem:$0xA2A0] =	vst v63  }
0xec: {  	_ =	swait.ge @!p2 [sflag:s26], $0x4000  }
0xed: {  	[sflag:s26] =	ssyncset.done @!p2 $0x0  }
0xee: {  	[sflag:s26] =	ssyncadd.s32 @!p2 $0xFFFFC000;
	s26 =	simm.s32 @!p2 $0x3  }
0xef: {  	_ =	swait.ge @!p2 [sflag:s26], $0x80  }
0xf0: {  	s4 =	simm.s32 @!p2 $0x0;
	[sflag:s26] =	ssyncset.done @!p2 $0x0  }
0xf1: {  	s7 =	simm.s32 @!p2 $0x80;
	s20 =	simm.s32 @!p2 $0x8000;
	[sflag:s26] =	ssyncadd.s32 @!p2 $0xFFFFFF80  }
0xf2: {  	[spmem:s2] =	stream.indirect.scatter.add.f32 @!p2 [tilespmem:s4], [sflag:$0x5], $0x80, s20, s7, $0xb8;
	[tilespmem:$0xA2A0] =	vst v63  }
0xf3: {  	s31 =	sadd.s32 @!p2 $0xFFFFFFFF, s13;
	s26 =	simm.s32 @!p2 $0x6;
	s4 =	simm.s32 @!p2 $0x9180  }
0xf4: {  	[spmem:s3] =	stream.indirect.scatter.add.f32 @!p2 [tilespmem:s4], [sflag:$0x7], $0x1, s20, s7, $0xb8;
	[tilespmem:$0xA2A0] =	vst v63  }
0xf5: {  	s17 =	sadd.s32 $0x1, s17;
	p5 =	sge.u32 @!p2 s31, s6;
	_ =	swait.ge @!p2 [sflag:s26], $0x4000  }
0xf6: {  	s24 =	sadd.s32 $0x20000, s24;
	p6 =	por p5, p2;
	[sflag:s26] =	ssyncset.done @!p2 $0x0  }
0xf7: {  	s31 =	simm.s32 @!p6 $0x4000;
	s4 =	simm.s32 @!p2 $0x8;
	[sflag:s26] =	ssyncadd.s32 @!p2 $0xFFFFC000  }
0xf8: {  	s7 =	sadd.s32 @!p6 $0xFFFFF000, s25;
	s20 =	sadd.s32 @!p6 $0xFFFF0000, s24;
	_ =	swait.ge @!p2 [sflag:s4], $0x80  }
0xf9: {  	s7 =	sshrl.u32 @!p6 s7, $0x3;
	[sflag:s4] =	ssyncset.done @!p2 $0x0;
	s0 =	rddreg [dreg:$0x7]  }
0xfa: {  	s26 =	simm.s32 @!p6 $0x0;
	[sflag:s4] =	ssyncadd.s32 @!p2 $0xFFFFFF80;
	p5 =	sge.u32 s15, s0  }
0xfb: {  	[tilespmem:s31], [sflag:$0x2] =	stream.linear.gather @!p6 [hbm4b:s20+s26], $0x4000, $0x38;
	[tilespmem:$0xA2A0] =	vst v63  }
0xfc: {  	s4 =	sadd.s32 @!p6 s1, s7;
	s7 =	simm.s32 @!p6 $0x8080;
	s0 =	simm.s32 @!p5 $0x2  }
0xfd: {  	[tilespmem:s7], [sflag:$0x4] =	stream.linear.gather @!p6 [hbm4b:s4+s26], $0x80, $0x38;
	[tilespmem:$0xA2A0] =	vst v63  }
0xfe: {  	p4 =	seq.s32 s17, $0x0;
	_ =	swait.ge @!p5 [sflag:s0], $0x4000  }
0xff: {  	s14 =	smov.u32 s25;
	s16 =	smov.u32 s24;
	[sflag:s0] =	ssyncset.done @!p5 $0x0  }
0x100: {  	s25 =	sadd.s32 $0x2000, s25;
	s7 =	simm.s32 @!p5 $0x4;
	[sflag:s0] =	ssyncadd.s32 @!p5 $0xFFFFC000  }
0x101: {  	s20 =	simm.s32 @!p5 $0x80;
	p6 =	sge.u32 @!p5 s13, s6;
	_ =	swait.ge @!p5 [sflag:s7], $0x80  }
0x102: {  	s26 =	simm.s32 @!p5 $0x8080;
	s13 =	sadd.s32 $0x2, s13;
	[sflag:s7] =	ssyncset.done @!p5 $0x0  }
.Ltmp6:
0x103: {  	s0 =	simm.s32 @!p5 $0x4000;
	[sflag:s7] =	ssyncadd.s32 @!p5 $0xFFFFFF80;
	(pc) =	sbr.rel @!p4 .LBB2_8-.Ltmp6, $4  }
0x104: {  	[spmem:s2] =	stream.indirect.scatter.add.f32 @!p5 [tilespmem:s0], [sflag:$0x6], $0x80, s26, s20, $0xb8;
	[tilespmem:$0xA2A0] =	vst v63  }
0x105: {  	s31 =	simm.s32 @!p5 $0x9180;
	s15 =	sadd.s32 $0xFFFFFFFE, s13;
	s7 =	simm.s32 @!p5 $0x5  }
0x106: {  	[spmem:s3] =	stream.indirect.scatter.add.f32 @!p5 [tilespmem:s31], [sflag:$0x8], $0x1, s26, s20, $0xb8;
	[tilespmem:$0xA2A0] =	vst v63  }
0x107: {  	s4 =	simm.s32 @!p5 $0x7;
	p2 =	sge.u32 s15, s6;
	_ =	swait.ge @!p5 [sflag:s7], $0x4000  }
.Ltmp7:
0x108: {  	(pc) =	sbr.rel .LBB2_10-.Ltmp7, $3  }
0x109: {  	_ =	sdelay $0x1  }
0x10a: {  	s26 =	stileid.u32;
	s31 =	smov.u32 s29  }
0x10b: {  	s29 =	smov.u32 s19;
	s19 =	smov.u32 s8;
	s8 =	simm.s32 $0x7  }
.LBB2_7:
.Ltmp8:
0x10c: {  	(pc) =	sbr.rel .LBB2_10-.Ltmp8, $4  }
0x10d: {  	_ = 	snop  }
0x10e: {  	s24 =	smov.u32 s18;
	s14 =	rddreg [dreg:$0x11]  }
0x10f: {  	s16 =	smov.u32 s18;
	s26 =	stileid.u32;
	s31 =	smov.u32 s29  }
0x110: {  	s29 =	smov.u32 s19;
	s19 =	smov.u32 s8;
	s8 =	simm.s32 $0x7  }
.LBB2_12:
0x111: {  	_ =	sfence.sel $0x180000  }
0x112: {  	[bflag:$0x0] =	sbarrier.arrive $0xFFFF  }
0x113: {  	_ =	strace $0x90000047  }
0x114: {  	[bflag:$0x2] =	sbarrier.arrive $0xFFFF  }
0x115: {  	p0 =	sne.s32 s26, $0x0;
	s0 =	rddreg [dreg:$0x6]  }
0x116: {  	s0 =	sadd.s32 @!p0 $0x100000, s0  }
0x117: {  	[sflag:s0] =	ssyncadd.tile.s32 @!p0 $0x1;
	_ =	shalt  }
.Lfunc_end2:
_tile_overlayer_lowered:
.L_overlay_start_2:
0x118: {  	(tag) =	ssettag $0x2  }
0x119: {  	s0 =	rddreg [dreg:$0x0];
	s2 =	stileid.u32  }
0x11a: {  	s1 =	rddreg [dreg:$0x1];
	p0 =	sne.s32 s2, $0x0  }
0x11b: {  	s3 =	rddreg [dreg:$0x2];
	[bflag:$0x3] =	sbarrier.arrive $0xFFFF;
	s2 =	simm.s32 @!p0 $0x1C09  }
0x11c: {  	[timem:s3], [sflag:s2] =	dma.local @!p0 [hbm:s0], s1  }
0x11d: {  	s0 =	simm.s32 @!p0 $0x9  }
0x11e: {  	_ =	swait.ge @!p0 [sflag:s0], s1  }
0x11f: {  	s1 =	ssub.s32 @!p0 $0x0, s1;
	[sflag:s0] =	ssyncset.done @!p0 $0x0  }
0x120: {  	[sflag:s0] =	ssyncadd.s32 @!p0 s1  }
0x121: {  	[bflag:$0x3] =	sbarrier.arrive $0xFFFF  }
0x122: {  	_ =	shalt  }

</sc_bundles>
